<compile_context>
chip_gen: v7x
topology: tpu7x:2x2x1
jax: 0.10.2.dev20260603
libtpu: 0.0.44.dev20260713+nightly
codegen_flags: <defaults>
</compile_context>

<pallas_src>
import functools

import jax
import jax.numpy as jnp
from jax import lax
from jax.experimental import pallas as pl
from jax.experimental.pallas import tpu as pltpu
from jax.experimental.pallas import tpu_sc as plsc

B = 16384
L = 200
VOCAB = 1000
D = 64

NC = 2
NS = 16
NW = NC * NS
LANES = 16

ROWS_PER_W = B // NW
GROUPS = ROWS_PER_W // LANES
JCHUNK = 40
NJC = L // JCHUNK


def _table_kernel(emb_t_ref, w_ref, b_ref, s_ref):
    prod = emb_t_ref[...] * w_ref[...][:, None]
    s = jnp.sum(prod, axis=0)
    s_ref[...] = (s + b_ref[0]) * (1.0 / L)


def _pool_body(xt_hbm, s_hbm, out_hbm, xa_v, xb_v, s_v, o_v, sem_a, sem_b):
    cid = lax.axis_index("c")
    sid = lax.axis_index("s")
    wid = sid * NC + cid
    base = wid * ROWS_PER_W

    bufs = (xa_v, xb_v)
    sems = (sem_a, sem_b)

    def start(c):
        return pltpu.async_copy(
            xt_hbm.at[pl.ds(c * JCHUNK, JCHUNK), pl.ds(base, ROWS_PER_W)],
            bufs[c % 2], sems[c % 2])

    handles = [start(0), start(1)]
    pltpu.sync_copy(s_hbm, s_v)

    for c in range(NJC):
        handles[c].wait()
        x_v = bufs[c % 2]
        first, last = c == 0, c == NJC - 1

        def group_body(g, carry):
            i0 = g * LANES

            def j_body(j, acc):
                xi = x_v[j, pl.ds(i0, LANES)]
                return acc + plsc.load_gather(s_v, [xi])

            acc = lax.fori_loop(0, JCHUNK, j_body,
                                jnp.zeros((LANES,), jnp.float32), unroll=8)
            if not first:
                acc = acc + o_v[pl.ds(i0, LANES)]
            if last:
                acc = 1.0 / (1.0 + jnp.exp(-acc))
            o_v[pl.ds(i0, LANES)] = acc
            return carry

        lax.fori_loop(0, GROUPS, group_body, 0)
        if c + 2 < NJC:
            handles.append(start(c + 2))

    pltpu.sync_copy(o_v, out_hbm.at[pl.ds(base, ROWS_PER_W)])


def kernel(x, emb, W, b):
    w = W.reshape(D).astype(jnp.float32)
    s_flat = pl.pallas_call(
        _table_kernel,
        out_shape=jax.ShapeDtypeStruct((VOCAB,), jnp.float32),
    )(emb.T, w, b.astype(jnp.float32))

    mesh = plsc.VectorSubcoreMesh(core_axis_name="c", subcore_axis_name="s")
    pool = functools.partial(
        pl.kernel,
        out_type=jax.ShapeDtypeStruct((B,), jnp.float32),
        mesh=mesh,
        scratch_types=[
            pltpu.VMEM((JCHUNK, ROWS_PER_W), jnp.int32),
            pltpu.VMEM((JCHUNK, ROWS_PER_W), jnp.int32),
            pltpu.VMEM((VOCAB,), jnp.float32),
            pltpu.VMEM((ROWS_PER_W,), jnp.float32),
            pltpu.SemaphoreType.DMA,
            pltpu.SemaphoreType.DMA,
        ],
        compiler_params=pltpu.CompilerParams(needs_layout_passes=False),
    )(_pool_body)
    out = pool(x.T.astype(jnp.int32), s_flat)
    return out.reshape(B, 1)

# --- scband reference (transcript-rebuilt; emitter-appended) ---
"""Pipeline reference for scband-nlpmodel-2688649527606 (READ-ONLY COPY).

The authoritative reference and input builder live on the scoring server;
editing this copy changes nothing except your own understanding.
"""

import jax, jax.numpy as jnp
import numpy as np

B = 16384
L = 200
VOCAB = 1000
D = 64

def setup_inputs(seed: int = 0) -> dict:
    key = jax.random.key(seed)
    k1, k2, k3, k4 = jax.random.split(key, 4)
    x = jax.random.randint(k1, (B, L), 0, VOCAB)
    emb = jax.random.normal(k2, (VOCAB, D), dtype=jnp.float32)
    # nn.Linear(vec_num, 1): weight [1, D], bias [1]
    lim = 1.0 / np.sqrt(D)
    W = jax.random.uniform(k3, (1, D), minval=-lim, maxval=lim, dtype=jnp.float32)
    b = jax.random.uniform(k4, (1,), minval=-lim, maxval=lim, dtype=jnp.float32)
    return {"x": x, "emb": emb, "W": W, "b": b}

def reference(x, emb, W, b):
    # embedding lookup: [B, L] -> [B, L, D]
    e = jnp.take(emb, x, axis=0)
    # AvgPool1d(string_length) over transposed [B, D, L] then squeeze -> mean over L: [B, D]
    pooled = jnp.mean(e, axis=1)
    # linear [B, D] -> [B, 1]
    out = pooled @ W.T + b
    # sigmoid activation
    return jax.nn.sigmoid(out)

if __name__ == "__main__":
    import jax
    _d = setup_inputs()
    print(jax.jit(kernel)(*tuple(_d.values())))

</pallas_src>

<mosaic_0001>
#map = affine_map<(d0, d1) -> (0, 0)>
#map1 = affine_map<(d0, d1) -> (0)>
module attributes {stable_mosaic.version = 14 : i64} {
  func.func @_pool_body(%arg0: i32, %arg1: i32, %arg2: memref<200x16384xi32, #tpu.memory_space<hbm>>, %arg3: memref<1000xf32, #tpu.memory_space<hbm>>, %arg4: memref<16384xf32, #tpu.memory_space<hbm>>, %arg5: memref<40x512xi32, #tpu.memory_space<vmem>>, %arg6: memref<40x512xi32, #tpu.memory_space<vmem>>, %arg7: memref<1000xf32, #tpu.memory_space<vmem>>, %arg8: memref<512xf32, #tpu.memory_space<vmem>>, %arg9: memref<!tpu.dma_semaphore, #tpu.memory_space<semaphore_mem>>, %arg10: memref<!tpu.dma_semaphore, #tpu.memory_space<semaphore_mem>>) attributes {dimension_semantics = [#tpu.dimension_semantics<core_parallel>, #tpu.dimension_semantics<subcore_parallel>], iteration_bounds = array<i64: 2, 16>, scalar_prefetch = 0 : i64, scratch_operands = 6 : i64, tpu.core_type = #tpu.core_type<sc_vector_subcore>, window_params = [{transform_indices = #map}, {transform_indices = #map1}, {transform_indices = #map1}]} {
    %mul3A = arith.constant 2 : i32
    %mul3A_0 = arith.muli %arg1, %mul3A : i32
    %add3A = arith.addi %mul3A_0, %arg0 : i32
    %mul3A_1 = arith.constant 512 : i32
    %mul3A_2 = arith.muli %add3A, %mul3A_1 : i32
    %dma_start3A = arith.constant 0 : i32
    %dma_start3A_3 = tpu.memref_slice %arg2[%dma_start3A, %mul3A_2] : memref<200x16384xi32, #tpu.memory_space<hbm>> -> memref<40x512xi32, #tpu.memory_space<hbm>>
    %dma_start3A_4 = arith.constant 0 : i32
    %dma_start3A_5 = tpu.memref_slice %arg2[%dma_start3A_4, %mul3A_2] : memref<200x16384xi32, #tpu.memory_space<hbm>> -> memref<40x512xi32, #tpu.memory_space<hbm>>
    tpu.enqueue_dma source(%dma_start3A_5 : memref<40x512xi32, #tpu.memory_space<hbm>>) target(%arg5 : memref<40x512xi32, #tpu.memory_space<vmem>>) target_semaphore(%arg9 : memref<!tpu.dma_semaphore, #tpu.memory_space<semaphore_mem>>)
    %dma_start3A_6 = arith.constant 40 : i32
    %dma_start3A_7 = tpu.memref_slice %arg2[%dma_start3A_6, %mul3A_2] : memref<200x16384xi32, #tpu.memory_space<hbm>> -> memref<40x512xi32, #tpu.memory_space<hbm>>
    %dma_start3A_8 = arith.constant 40 : i32
    %dma_start3A_9 = tpu.memref_slice %arg2[%dma_start3A_8, %mul3A_2] : memref<200x16384xi32, #tpu.memory_space<hbm>> -> memref<40x512xi32, #tpu.memory_space<hbm>>
    tpu.enqueue_dma source(%dma_start3A_9 : memref<40x512xi32, #tpu.memory_space<hbm>>) target(%arg6 : memref<40x512xi32, #tpu.memory_space<vmem>>) target_semaphore(%arg10 : memref<!tpu.dma_semaphore, #tpu.memory_space<semaphore_mem>>)
    "tpu.region"() ({
      %run_scoped3A = tpu.sem_alloc : memref<!tpu.dma_semaphore, #tpu.memory_space<semaphore_mem>>
      tpu.enqueue_dma source(%arg3 : memref<1000xf32, #tpu.memory_space<hbm>>) target(%arg7 : memref<1000xf32, #tpu.memory_space<vmem>>) target_semaphore(%run_scoped3A : memref<!tpu.dma_semaphore, #tpu.memory_space<semaphore_mem>>)
      tpu.wait_dma2 semaphore(%run_scoped3A : memref<!tpu.dma_semaphore, #tpu.memory_space<semaphore_mem>>) src(%arg3 : memref<1000xf32, #tpu.memory_space<hbm>>) dst(%arg7 : memref<1000xf32, #tpu.memory_space<vmem>>)
      tpu.yield
    }) : () -> ()
    %dma_wait3A = arith.constant 0 : i32
    %dma_wait3A_10 = tpu.memref_slice %arg2[%dma_wait3A, %mul3A_2] : memref<200x16384xi32, #tpu.memory_space<hbm>> -> memref<40x512xi32, #tpu.memory_space<hbm>>
    %dma_wait3A_11 = arith.constant 0 : i32
    %dma_wait3A_12 = tpu.memref_slice %arg2[%dma_wait3A_11, %mul3A_2] : memref<200x16384xi32, #tpu.memory_space<hbm>> -> memref<40x512xi32, #tpu.memory_space<hbm>>
    tpu.wait_dma2 semaphore(%arg9 : memref<!tpu.dma_semaphore, #tpu.memory_space<semaphore_mem>>) src(%dma_wait3A_12 : memref<40x512xi32, #tpu.memory_space<hbm>>) dst(%arg5 : memref<40x512xi32, #tpu.memory_space<vmem>>)
    %scan3A = arith.constant 0 : i32
    %scan3A_13 = arith.constant 0 : i32
    %scan3A_14 = arith.constant 32 : i32
    %scan3A_15 = arith.addi %scan3A_13, %scan3A_14 : i32
    %scan3A_16 = arith.constant 1 : i32
    scf.for %scan3A_70 = %scan3A_13 to %scan3A_15 step %scan3A_16  : i32 {
      %mul3A_71 = arith.constant 16 : i32
      %mul3A_72 = arith.muli %scan3A_70, %mul3A_71 : i32
      %broadcast_in_dim3A = arith.constant 0.000000e+00 : f32
      %broadcast_in_dim3A_73 = vector.broadcast %broadcast_in_dim3A : f32 to vector<16xf32>
      %scan3A_74 = arith.constant 0 : i32
      %scan3A_75 = arith.constant 40 : i32
      %scan3A_76 = arith.addi %scan3A_74, %scan3A_75 : i32
      %scan3A_77 = arith.constant 8 : i32
      %scan3A_78 = scf.for %scan3A_81 = %scan3A_74 to %scan3A_76 step %scan3A_77 iter_args(%scan3A_82 = %broadcast_in_dim3A_73) -> (vector<16xf32>)  : i32 {
        %get3A = arith.index_cast %scan3A_81 : i32 to index
        %get3A_83 = arith.index_cast %mul3A_72 : i32 to index
        %get3A_84 = tpu.vector_load %arg5[%get3A, %get3A_83] {strides = array<i32>} : memref<40x512xi32, #tpu.memory_space<vmem>>, vector<16xi32>,
        %gather3A = tpu.vector_load_idx %arg7[%get3A_84] : memref<1000xf32, #tpu.memory_space<vmem>>[vector<16xi32>], vector<16xf32>,
        %add3A_85 = arith.addf %scan3A_82, %gather3A : vector<16xf32>
        %scan3A_86 = arith.constant 1 : i32
        %scan3A_87 = arith.addi %scan3A_81, %scan3A_86 : i32
        %get3A_88 = arith.index_cast %scan3A_87 : i32 to index
        %get3A_89 = arith.index_cast %mul3A_72 : i32 to index
        %get3A_90 = tpu.vector_load %arg5[%get3A_88, %get3A_89] {strides = array<i32>} : memref<40x512xi32, #tpu.memory_space<vmem>>, vector<16xi32>,
        %gather3A_91 = tpu.vector_load_idx %arg7[%get3A_90] : memref<1000xf32, #tpu.memory_space<vmem>>[vector<16xi32>], vector<16xf32>,
        %add3A_92 = arith.addf %add3A_85, %gather3A_91 : vector<16xf32>
        %scan3A_93 = arith.constant 2 : i32
        %scan3A_94 = arith.addi %scan3A_81, %scan3A_93 : i32
        %get3A_95 = arith.index_cast %scan3A_94 : i32 to index
        %get3A_96 = arith.index_cast %mul3A_72 : i32 to index
        %get3A_97 = tpu.vector_load %arg5[%get3A_95, %get3A_96] {strides = array<i32>} : memref<40x512xi32, #tpu.memory_space<vmem>>, vector<16xi32>,
        %gather3A_98 = tpu.vector_load_idx %arg7[%get3A_97] : memref<1000xf32, #tpu.memory_space<vmem>>[vector<16xi32>], vector<16xf32>,
        %add3A_99 = arith.addf %add3A_92, %gather3A_98 : vector<16xf32>
        %scan3A_100 = arith.constant 3 : i32
        %scan3A_101 = arith.addi %scan3A_81, %scan3A_100 : i32
        %get3A_102 = arith.index_cast %scan3A_101 : i32 to index
        %get3A_103 = arith.index_cast %mul3A_72 : i32 to index
        %get3A_104 = tpu.vector_load %arg5[%get3A_102, %get3A_103] {strides = array<i32>} : memref<40x512xi32, #tpu.memory_space<vmem>>, vector<16xi32>,
        %gather3A_105 = tpu.vector_load_idx %arg7[%get3A_104] : memref<1000xf32, #tpu.memory_space<vmem>>[vector<16xi32>], vector<16xf32>,
        %add3A_106 = arith.addf %add3A_99, %gather3A_105 : vector<16xf32>
        %scan3A_107 = arith.constant 4 : i32
        %scan3A_108 = arith.addi %scan3A_81, %scan3A_107 : i32
        %get3A_109 = arith.index_cast %scan3A_108 : i32 to index
        %get3A_110 = arith.index_cast %mul3A_72 : i32 to index
        %get3A_111 = tpu.vector_load %arg5[%get3A_109, %get3A_110] {strides = array<i32>} : memref<40x512xi32, #tpu.memory_space<vmem>>, vector<16xi32>,
        %gather3A_112 = tpu.vector_load_idx %arg7[%get3A_111] : memref<1000xf32, #tpu.memory_space<vmem>>[vector<16xi32>], vector<16xf32>,
        %add3A_113 = arith.addf %add3A_106, %gather3A_112 : vector<16xf32>
        %scan3A_114 = arith.constant 5 : i32
        %scan3A_115 = arith.addi %scan3A_81, %scan3A_114 : i32
        %get3A_116 = arith.index_cast %scan3A_115 : i32 to index
        %get3A_117 = arith.index_cast %mul3A_72 : i32 to index
        %get3A_118 = tpu.vector_load %arg5[%get3A_116, %get3A_117] {strides = array<i32>} : memref<40x512xi32, #tpu.memory_space<vmem>>, vector<16xi32>,
        %gather3A_119 = tpu.vector_load_idx %arg7[%get3A_118] : memref<1000xf32, #tpu.memory_space<vmem>>[vector<16xi32>], vector<16xf32>,
        %add3A_120 = arith.addf %add3A_113, %gather3A_119 : vector<16xf32>
        %scan3A_121 = arith.constant 6 : i32
        %scan3A_122 = arith.addi %scan3A_81, %scan3A_121 : i32
        %get3A_123 = arith.index_cast %scan3A_122 : i32 to index
        %get3A_124 = arith.index_cast %mul3A_72 : i32 to index
        %get3A_125 = tpu.vector_load %arg5[%get3A_123, %get3A_124] {strides = array<i32>} : memref<40x512xi32, #tpu.memory_space<vmem>>, vector<16xi32>,
        %gather3A_126 = tpu.vector_load_idx %arg7[%get3A_125] : memref<1000xf32, #tpu.memory_space<vmem>>[vector<16xi32>], vector<16xf32>,
        %add3A_127 = arith.addf %add3A_120, %gather3A_126 : vector<16xf32>
        %scan3A_128 = arith.constant 7 : i32
        %scan3A_129 = arith.addi %scan3A_81, %scan3A_128 : i32
        %get3A_130 = arith.index_cast %scan3A_129 : i32 to index
        %get3A_131 = arith.index_cast %mul3A_72 : i32 to index
        %get3A_132 = tpu.vector_load %arg5[%get3A_130, %get3A_131] {strides = array<i32>} : memref<40x512xi32, #tpu.memory_space<vmem>>, vector<16xi32>,
        %gather3A_133 = tpu.vector_load_idx %arg7[%get3A_132] : memref<1000xf32, #tpu.memory_space<vmem>>[vector<16xi32>], vector<16xf32>,
        %add3A_134 = arith.addf %add3A_127, %gather3A_133 : vector<16xf32>
        scf.yield %add3A_134 : vector<16xf32>
      }
      %scan3A_79 = arith.constant 40 : i32
      %swap3A = arith.index_cast %mul3A_72 : i32 to index
      %swap3A_80 = tpu.vector_load %arg8[%swap3A] {strides = array<i32>} : memref<512xf32, #tpu.memory_space<vmem>>, vector<16xf32>,
      tpu.vector_store %arg8[%swap3A], %scan3A_78 {strides = array<i32>} : memref<512xf32, #tpu.memory_space<vmem>>, vector<16xf32>,
    }
    %scan3A_17 = arith.constant 32 : i32
    %dma_start3A_18 = arith.constant 80 : i32
    %dma_start3A_19 = tpu.memref_slice %arg2[%dma_start3A_18, %mul3A_2] : memref<200x16384xi32, #tpu.memory_space<hbm>> -> memref<40x512xi32, #tpu.memory_space<hbm>>
    %dma_start3A_20 = arith.constant 80 : i32
    %dma_start3A_21 = tpu.memref_slice %arg2[%dma_start3A_20, %mul3A_2] : memref<200x16384xi32, #tpu.memory_space<hbm>> -> memref<40x512xi32, #tpu.memory_space<hbm>>
    tpu.enqueue_dma source(%dma_start3A_21 : memref<40x512xi32, #tpu.memory_space<hbm>>) target(%arg5 : memref<40x512xi32, #tpu.memory_space<vmem>>) target_semaphore(%arg9 : memref<!tpu.dma_semaphore, #tpu.memory_space<semaphore_mem>>)
    %dma_wait3A_22 = arith.constant 40 : i32
    %dma_wait3A_23 = tpu.memref_slice %arg2[%dma_wait3A_22, %mul3A_2] : memref<200x16384xi32, #tpu.memory_space<hbm>> -> memref<40x512xi32, #tpu.memory_space<hbm>>
    %dma_wait3A_24 = arith.constant 40 : i32
    %dma_wait3A_25 = tpu.memref_slice %arg2[%dma_wait3A_24, %mul3A_2] : memref<200x16384xi32, #tpu.memory_space<hbm>> -> memref<40x512xi32, #tpu.memory_space<hbm>>
    tpu.wait_dma2 semaphore(%arg10 : memref<!tpu.dma_semaphore, #tpu.memory_space<semaphore_mem>>) src(%dma_wait3A_25 : memref<40x512xi32, #tpu.memory_space<hbm>>) dst(%arg6 : memref<40x512xi32, #tpu.memory_space<vmem>>)
    %scan3A_26 = arith.constant 0 : i32
    %scan3A_27 = arith.constant 0 : i32
    %scan3A_28 = arith.constant 32 : i32
    %scan3A_29 = arith.addi %scan3A_27, %scan3A_28 : i32
    %scan3A_30 = arith.constant 1 : i32
    scf.for %scan3A_70 = %scan3A_27 to %scan3A_29 step %scan3A_30  : i32 {
      %mul3A_71 = arith.constant 16 : i32
      %mul3A_72 = arith.muli %scan3A_70, %mul3A_71 : i32
      %broadcast_in_dim3A = arith.constant 0.000000e+00 : f32
      %broadcast_in_dim3A_73 = vector.broadcast %broadcast_in_dim3A : f32 to vector<16xf32>
      %scan3A_74 = arith.constant 0 : i32
      %scan3A_75 = arith.constant 40 : i32
      %scan3A_76 = arith.addi %scan3A_74, %scan3A_75 : i32
      %scan3A_77 = arith.constant 8 : i32
      %scan3A_78 = scf.for %scan3A_83 = %scan3A_74 to %scan3A_76 step %scan3A_77 iter_args(%scan3A_84 = %broadcast_in_dim3A_73) -> (vector<16xf32>)  : i32 {
        %get3A_85 = arith.index_cast %scan3A_83 : i32 to index
        %get3A_86 = arith.index_cast %mul3A_72 : i32 to index
        %get3A_87 = tpu.vector_load %arg6[%get3A_85, %get3A_86] {strides = array<i32>} : memref<40x512xi32, #tpu.memory_space<vmem>>, vector<16xi32>,
        %gather3A = tpu.vector_load_idx %arg7[%get3A_87] : memref<1000xf32, #tpu.memory_space<vmem>>[vector<16xi32>], vector<16xf32>,
        %add3A_88 = arith.addf %scan3A_84, %gather3A : vector<16xf32>
        %scan3A_89 = arith.constant 1 : i32
        %scan3A_90 = arith.addi %scan3A_83, %scan3A_89 : i32
        %get3A_91 = arith.index_cast %scan3A_90 : i32 to index
        %get3A_92 = arith.index_cast %mul3A_72 : i32 to index
        %get3A_93 = tpu.vector_load %arg6[%get3A_91, %get3A_92] {strides = array<i32>} : memref<40x512xi32, #tpu.memory_space<vmem>>, vector<16xi32>,
        %gather3A_94 = tpu.vector_load_idx %arg7[%get3A_93] : memref<1000xf32, #tpu.memory_space<vmem>>[vector<16xi32>], vector<16xf32>,
        %add3A_95 = arith.addf %add3A_88, %gather3A_94 : vector<16xf32>
        %scan3A_96 = arith.constant 2 : i32
        %scan3A_97 = arith.addi %scan3A_83, %scan3A_96 : i32
        %get3A_98 = arith.index_cast %scan3A_97 : i32 to index
        %get3A_99 = arith.index_cast %mul3A_72 : i32 to index
        %get3A_100 = tpu.vector_load %arg6[%get3A_98, %get3A_99] {strides = array<i32>} : memref<40x512xi32, #tpu.memory_space<vmem>>, vector<16xi32>,
        %gather3A_101 = tpu.vector_load_idx %arg7[%get3A_100] : memref<1000xf32, #tpu.memory_space<vmem>>[vector<16xi32>], vector<16xf32>,
        %add3A_102 = arith.addf %add3A_95, %gather3A_101 : vector<16xf32>
        %scan3A_103 = arith.constant 3 : i32
        %scan3A_104 = arith.addi %scan3A_83, %scan3A_103 : i32
        %get3A_105 = arith.index_cast %scan3A_104 : i32 to index
        %get3A_106 = arith.index_cast %mul3A_72 : i32 to index
        %get3A_107 = tpu.vector_load %arg6[%get3A_105, %get3A_106] {strides = array<i32>} : memref<40x512xi32, #tpu.memory_space<vmem>>, vector<16xi32>,
        %gather3A_108 = tpu.vector_load_idx %arg7[%get3A_107] : memref<1000xf32, #tpu.memory_space<vmem>>[vector<16xi32>], vector<16xf32>,
        %add3A_109 = arith.addf %add3A_102, %gather3A_108 : vector<16xf32>
        %scan3A_110 = arith.constant 4 : i32
        %scan3A_111 = arith.addi %scan3A_83, %scan3A_110 : i32
        %get3A_112 = arith.index_cast %scan3A_111 : i32 to index
        %get3A_113 = arith.index_cast %mul3A_72 : i32 to index
        %get3A_114 = tpu.vector_load %arg6[%get3A_112, %get3A_113] {strides = array<i32>} : memref<40x512xi32, #tpu.memory_space<vmem>>, vector<16xi32>,
        %gather3A_115 = tpu.vector_load_idx %arg7[%get3A_114] : memref<1000xf32, #tpu.memory_space<vmem>>[vector<16xi32>], vector<16xf32>,
        %add3A_116 = arith.addf %add3A_109, %gather3A_115 : vector<16xf32>
        %scan3A_117 = arith.constant 5 : i32
        %scan3A_118 = arith.addi %scan3A_83, %scan3A_117 : i32
        %get3A_119 = arith.index_cast %scan3A_118 : i32 to index
        %get3A_120 = arith.index_cast %mul3A_72 : i32 to index
        %get3A_121 = tpu.vector_load %arg6[%get3A_119, %get3A_120] {strides = array<i32>} : memref<40x512xi32, #tpu.memory_space<vmem>>, vector<16xi32>,
        %gather3A_122 = tpu.vector_load_idx %arg7[%get3A_121] : memref<1000xf32, #tpu.memory_space<vmem>>[vector<16xi32>], vector<16xf32>,
        %add3A_123 = arith.addf %add3A_116, %gather3A_122 : vector<16xf32>
        %scan3A_124 = arith.constant 6 : i32
        %scan3A_125 = arith.addi %scan3A_83, %scan3A_124 : i32
        %get3A_126 = arith.index_cast %scan3A_125 : i32 to index
        %get3A_127 = arith.index_cast %mul3A_72 : i32 to index
        %get3A_128 = tpu.vector_load %arg6[%get3A_126, %get3A_127] {strides = array<i32>} : memref<40x512xi32, #tpu.memory_space<vmem>>, vector<16xi32>,
        %gather3A_129 = tpu.vector_load_idx %arg7[%get3A_128] : memref<1000xf32, #tpu.memory_space<vmem>>[vector<16xi32>], vector<16xf32>,
        %add3A_130 = arith.addf %add3A_123, %gather3A_129 : vector<16xf32>
        %scan3A_131 = arith.constant 7 : i32
        %scan3A_132 = arith.addi %scan3A_83, %scan3A_131 : i32
        %get3A_133 = arith.index_cast %scan3A_132 : i32 to index
        %get3A_134 = arith.index_cast %mul3A_72 : i32 to index
        %get3A_135 = tpu.vector_load %arg6[%get3A_133, %get3A_134] {strides = array<i32>} : memref<40x512xi32, #tpu.memory_space<vmem>>, vector<16xi32>,
        %gather3A_136 = tpu.vector_load_idx %arg7[%get3A_135] : memref<1000xf32, #tpu.memory_space<vmem>>[vector<16xi32>], vector<16xf32>,
        %add3A_137 = arith.addf %add3A_130, %gather3A_136 : vector<16xf32>
        scf.yield %add3A_137 : vector<16xf32>
      }
      %scan3A_79 = arith.constant 40 : i32
      %get3A = arith.index_cast %mul3A_72 : i32 to index
      %get3A_80 = tpu.vector_load %arg8[%get3A] {strides = array<i32>} : memref<512xf32, #tpu.memory_space<vmem>>, vector<16xf32>,
      %add3A_81 = arith.addf %scan3A_78, %get3A_80 : vector<16xf32>
      %swap3A = arith.index_cast %mul3A_72 : i32 to index
      %swap3A_82 = tpu.vector_load %arg8[%swap3A] {strides = array<i32>} : memref<512xf32, #tpu.memory_space<vmem>>, vector<16xf32>,
      tpu.vector_store %arg8[%swap3A], %add3A_81 {strides = array<i32>} : memref<512xf32, #tpu.memory_space<vmem>>, vector<16xf32>,
    }
    %scan3A_31 = arith.constant 32 : i32
    %dma_start3A_32 = arith.constant 120 : i32
    %dma_start3A_33 = tpu.memref_slice %arg2[%dma_start3A_32, %mul3A_2] : memref<200x16384xi32, #tpu.memory_space<hbm>> -> memref<40x512xi32, #tpu.memory_space<hbm>>
    %dma_start3A_34 = arith.constant 120 : i32
    %dma_start3A_35 = tpu.memref_slice %arg2[%dma_start3A_34, %mul3A_2] : memref<200x16384xi32, #tpu.memory_space<hbm>> -> memref<40x512xi32, #tpu.memory_space<hbm>>
    tpu.enqueue_dma source(%dma_start3A_35 : memref<40x512xi32, #tpu.memory_space<hbm>>) target(%arg6 : memref<40x512xi32, #tpu.memory_space<vmem>>) target_semaphore(%arg10 : memref<!tpu.dma_semaphore, #tpu.memory_space<semaphore_mem>>)
    %dma_wait3A_36 = arith.constant 80 : i32
    %dma_wait3A_37 = tpu.memref_slice %arg2[%dma_wait3A_36, %mul3A_2] : memref<200x16384xi32, #tpu.memory_space<hbm>> -> memref<40x512xi32, #tpu.memory_space<hbm>>
    %dma_wait3A_38 = arith.constant 80 : i32
    %dma_wait3A_39 = tpu.memref_slice %arg2[%dma_wait3A_38, %mul3A_2] : memref<200x16384xi32, #tpu.memory_space<hbm>> -> memref<40x512xi32, #tpu.memory_space<hbm>>
    tpu.wait_dma2 semaphore(%arg9 : memref<!tpu.dma_semaphore, #tpu.memory_space<semaphore_mem>>) src(%dma_wait3A_39 : memref<40x512xi32, #tpu.memory_space<hbm>>) dst(%arg5 : memref<40x512xi32, #tpu.memory_space<vmem>>)
    %scan3A_40 = arith.constant 0 : i32
    %scan3A_41 = arith.constant 0 : i32
    %scan3A_42 = arith.constant 32 : i32
    %scan3A_43 = arith.addi %scan3A_41, %scan3A_42 : i32
    %scan3A_44 = arith.constant 1 : i32
    scf.for %scan3A_70 = %scan3A_41 to %scan3A_43 step %scan3A_44  : i32 {
      %mul3A_71 = arith.constant 16 : i32
      %mul3A_72 = arith.muli %scan3A_70, %mul3A_71 : i32
      %broadcast_in_dim3A = arith.constant 0.000000e+00 : f32
      %broadcast_in_dim3A_73 = vector.broadcast %broadcast_in_dim3A : f32 to vector<16xf32>
      %scan3A_74 = arith.constant 0 : i32
      %scan3A_75 = arith.constant 40 : i32
      %scan3A_76 = arith.addi %scan3A_74, %scan3A_75 : i32
      %scan3A_77 = arith.constant 8 : i32
      %scan3A_78 = scf.for %scan3A_83 = %scan3A_74 to %scan3A_76 step %scan3A_77 iter_args(%scan3A_84 = %broadcast_in_dim3A_73) -> (vector<16xf32>)  : i32 {
        %get3A_85 = arith.index_cast %scan3A_83 : i32 to index
        %get3A_86 = arith.index_cast %mul3A_72 : i32 to index
        %get3A_87 = tpu.vector_load %arg5[%get3A_85, %get3A_86] {strides = array<i32>} : memref<40x512xi32, #tpu.memory_space<vmem>>, vector<16xi32>,
        %gather3A = tpu.vector_load_idx %arg7[%get3A_87] : memref<1000xf32, #tpu.memory_space<vmem>>[vector<16xi32>], vector<16xf32>,
        %add3A_88 = arith.addf %scan3A_84, %gather3A : vector<16xf32>
        %scan3A_89 = arith.constant 1 : i32
        %scan3A_90 = arith.addi %scan3A_83, %scan3A_89 : i32
        %get3A_91 = arith.index_cast %scan3A_90 : i32 to index
        %get3A_92 = arith.index_cast %mul3A_72 : i32 to index
        %get3A_93 = tpu.vector_load %arg5[%get3A_91, %get3A_92] {strides = array<i32>} : memref<40x512xi32, #tpu.memory_space<vmem>>, vector<16xi32>,
        %gather3A_94 = tpu.vector_load_idx %arg7[%get3A_93] : memref<1000xf32, #tpu.memory_space<vmem>>[vector<16xi32>], vector<16xf32>,
        %add3A_95 = arith.addf %add3A_88, %gather3A_94 : vector<16xf32>
        %scan3A_96 = arith.constant 2 : i32
        %scan3A_97 = arith.addi %scan3A_83, %scan3A_96 : i32
        %get3A_98 = arith.index_cast %scan3A_97 : i32 to index
        %get3A_99 = arith.index_cast %mul3A_72 : i32 to index
        %get3A_100 = tpu.vector_load %arg5[%get3A_98, %get3A_99] {strides = array<i32>} : memref<40x512xi32, #tpu.memory_space<vmem>>, vector<16xi32>,
        %gather3A_101 = tpu.vector_load_idx %arg7[%get3A_100] : memref<1000xf32, #tpu.memory_space<vmem>>[vector<16xi32>], vector<16xf32>,
        %add3A_102 = arith.addf %add3A_95, %gather3A_101 : vector<16xf32>
        %scan3A_103 = arith.constant 3 : i32
        %scan3A_104 = arith.addi %scan3A_83, %scan3A_103 : i32
        %get3A_105 = arith.index_cast %scan3A_104 : i32 to index
        %get3A_106 = arith.index_cast %mul3A_72 : i32 to index
        %get3A_107 = tpu.vector_load %arg5[%get3A_105, %get3A_106] {strides = array<i32>} : memref<40x512xi32, #tpu.memory_space<vmem>>, vector<16xi32>,
        %gather3A_108 = tpu.vector_load_idx %arg7[%get3A_107] : memref<1000xf32, #tpu.memory_space<vmem>>[vector<16xi32>], vector<16xf32>,
        %add3A_109 = arith.addf %add3A_102, %gather3A_108 : vector<16xf32>
        %scan3A_110 = arith.constant 4 : i32
        %scan3A_111 = arith.addi %scan3A_83, %scan3A_110 : i32
        %get3A_112 = arith.index_cast %scan3A_111 : i32 to index
        %get3A_113 = arith.index_cast %mul3A_72 : i32 to index
        %get3A_114 = tpu.vector_load %arg5[%get3A_112, %get3A_113] {strides = array<i32>} : memref<40x512xi32, #tpu.memory_space<vmem>>, vector<16xi32>,
        %gather3A_115 = tpu.vector_load_idx %arg7[%get3A_114] : memref<1000xf32, #tpu.memory_space<vmem>>[vector<16xi32>], vector<16xf32>,
        %add3A_116 = arith.addf %add3A_109, %gather3A_115 : vector<16xf32>
        %scan3A_117 = arith.constant 5 : i32
        %scan3A_118 = arith.addi %scan3A_83, %scan3A_117 : i32
        %get3A_119 = arith.index_cast %scan3A_118 : i32 to index
        %get3A_120 = arith.index_cast %mul3A_72 : i32 to index
        %get3A_121 = tpu.vector_load %arg5[%get3A_119, %get3A_120] {strides = array<i32>} : memref<40x512xi32, #tpu.memory_space<vmem>>, vector<16xi32>,
        %gather3A_122 = tpu.vector_load_idx %arg7[%get3A_121] : memref<1000xf32, #tpu.memory_space<vmem>>[vector<16xi32>], vector<16xf32>,
        %add3A_123 = arith.addf %add3A_116, %gather3A_122 : vector<16xf32>
        %scan3A_124 = arith.constant 6 : i32
        %scan3A_125 = arith.addi %scan3A_83, %scan3A_124 : i32
        %get3A_126 = arith.index_cast %scan3A_125 : i32 to index
        %get3A_127 = arith.index_cast %mul3A_72 : i32 to index
        %get3A_128 = tpu.vector_load %arg5[%get3A_126, %get3A_127] {strides = array<i32>} : memref<40x512xi32, #tpu.memory_space<vmem>>, vector<16xi32>,
        %gather3A_129 = tpu.vector_load_idx %arg7[%get3A_128] : memref<1000xf32, #tpu.memory_space<vmem>>[vector<16xi32>], vector<16xf32>,
        %add3A_130 = arith.addf %add3A_123, %gather3A_129 : vector<16xf32>
        %scan3A_131 = arith.constant 7 : i32
        %scan3A_132 = arith.addi %scan3A_83, %scan3A_131 : i32
        %get3A_133 = arith.index_cast %scan3A_132 : i32 to index
        %get3A_134 = arith.index_cast %mul3A_72 : i32 to index
        %get3A_135 = tpu.vector_load %arg5[%get3A_133, %get3A_134] {strides = array<i32>} : memref<40x512xi32, #tpu.memory_space<vmem>>, vector<16xi32>,
        %gather3A_136 = tpu.vector_load_idx %arg7[%get3A_135] : memref<1000xf32, #tpu.memory_space<vmem>>[vector<16xi32>], vector<16xf32>,
        %add3A_137 = arith.addf %add3A_130, %gather3A_136 : vector<16xf32>
        scf.yield %add3A_137 : vector<16xf32>
      }
      %scan3A_79 = arith.constant 40 : i32
      %get3A = arith.index_cast %mul3A_72 : i32 to index
      %get3A_80 = tpu.vector_load %arg8[%get3A] {strides = array<i32>} : memref<512xf32, #tpu.memory_space<vmem>>, vector<16xf32>,
      %add3A_81 = arith.addf %scan3A_78, %get3A_80 : vector<16xf32>
      %swap3A = arith.index_cast %mul3A_72 : i32 to index
      %swap3A_82 = tpu.vector_load %arg8[%swap3A] {strides = array<i32>} : memref<512xf32, #tpu.memory_space<vmem>>, vector<16xf32>,
      tpu.vector_store %arg8[%swap3A], %add3A_81 {strides = array<i32>} : memref<512xf32, #tpu.memory_space<vmem>>, vector<16xf32>,
    }
    %scan3A_45 = arith.constant 32 : i32
    %dma_start3A_46 = arith.constant 160 : i32
    %dma_start3A_47 = tpu.memref_slice %arg2[%dma_start3A_46, %mul3A_2] : memref<200x16384xi32, #tpu.memory_space<hbm>> -> memref<40x512xi32, #tpu.memory_space<hbm>>
    %dma_start3A_48 = arith.constant 160 : i32
    %dma_start3A_49 = tpu.memref_slice %arg2[%dma_start3A_48, %mul3A_2] : memref<200x16384xi32, #tpu.memory_space<hbm>> -> memref<40x512xi32, #tpu.memory_space<hbm>>
    tpu.enqueue_dma source(%dma_start3A_49 : memref<40x512xi32, #tpu.memory_space<hbm>>) target(%arg5 : memref<40x512xi32, #tpu.memory_space<vmem>>) target_semaphore(%arg9 : memref<!tpu.dma_semaphore, #tpu.memory_space<semaphore_mem>>)
    %dma_wait3A_50 = arith.constant 120 : i32
    %dma_wait3A_51 = tpu.memref_slice %arg2[%dma_wait3A_50, %mul3A_2] : memref<200x16384xi32, #tpu.memory_space<hbm>> -> memref<40x512xi32, #tpu.memory_space<hbm>>
    %dma_wait3A_52 = arith.constant 120 : i32
    %dma_wait3A_53 = tpu.memref_slice %arg2[%dma_wait3A_52, %mul3A_2] : memref<200x16384xi32, #tpu.memory_space<hbm>> -> memref<40x512xi32, #tpu.memory_space<hbm>>
    tpu.wait_dma2 semaphore(%arg10 : memref<!tpu.dma_semaphore, #tpu.memory_space<semaphore_mem>>) src(%dma_wait3A_53 : memref<40x512xi32, #tpu.memory_space<hbm>>) dst(%arg6 : memref<40x512xi32, #tpu.memory_space<vmem>>)
    %scan3A_54 = arith.constant 0 : i32
    %scan3A_55 = arith.constant 0 : i32
    %scan3A_56 = arith.constant 32 : i32
    %scan3A_57 = arith.addi %scan3A_55, %scan3A_56 : i32
    %scan3A_58 = arith.constant 1 : i32
    scf.for %scan3A_70 = %scan3A_55 to %scan3A_57 step %scan3A_58  : i32 {
      %mul3A_71 = arith.constant 16 : i32
      %mul3A_72 = arith.muli %scan3A_70, %mul3A_71 : i32
      %broadcast_in_dim3A = arith.constant 0.000000e+00 : f32
      %broadcast_in_dim3A_73 = vector.broadcast %broadcast_in_dim3A : f32 to vector<16xf32>
      %scan3A_74 = arith.constant 0 : i32
      %scan3A_75 = arith.constant 40 : i32
      %scan3A_76 = arith.addi %scan3A_74, %scan3A_75 : i32
      %scan3A_77 = arith.constant 8 : i32
      %scan3A_78 = scf.for %scan3A_83 = %scan3A_74 to %scan3A_76 step %scan3A_77 iter_args(%scan3A_84 = %broadcast_in_dim3A_73) -> (vector<16xf32>)  : i32 {
        %get3A_85 = arith.index_cast %scan3A_83 : i32 to index
        %get3A_86 = arith.index_cast %mul3A_72 : i32 to index
        %get3A_87 = tpu.vector_load %arg6[%get3A_85, %get3A_86] {strides = array<i32>} : memref<40x512xi32, #tpu.memory_space<vmem>>, vector<16xi32>,
        %gather3A = tpu.vector_load_idx %arg7[%get3A_87] : memref<1000xf32, #tpu.memory_space<vmem>>[vector<16xi32>], vector<16xf32>,
        %add3A_88 = arith.addf %scan3A_84, %gather3A : vector<16xf32>
        %scan3A_89 = arith.constant 1 : i32
        %scan3A_90 = arith.addi %scan3A_83, %scan3A_89 : i32
        %get3A_91 = arith.index_cast %scan3A_90 : i32 to index
        %get3A_92 = arith.index_cast %mul3A_72 : i32 to index
        %get3A_93 = tpu.vector_load %arg6[%get3A_91, %get3A_92] {strides = array<i32>} : memref<40x512xi32, #tpu.memory_space<vmem>>, vector<16xi32>,
        %gather3A_94 = tpu.vector_load_idx %arg7[%get3A_93] : memref<1000xf32, #tpu.memory_space<vmem>>[vector<16xi32>], vector<16xf32>,
        %add3A_95 = arith.addf %add3A_88, %gather3A_94 : vector<16xf32>
        %scan3A_96 = arith.constant 2 : i32
        %scan3A_97 = arith.addi %scan3A_83, %scan3A_96 : i32
        %get3A_98 = arith.index_cast %scan3A_97 : i32 to index
        %get3A_99 = arith.index_cast %mul3A_72 : i32 to index
        %get3A_100 = tpu.vector_load %arg6[%get3A_98, %get3A_99] {strides = array<i32>} : memref<40x512xi32, #tpu.memory_space<vmem>>, vector<16xi32>,
        %gather3A_101 = tpu.vector_load_idx %arg7[%get3A_100] : memref<1000xf32, #tpu.memory_space<vmem>>[vector<16xi32>], vector<16xf32>,
        %add3A_102 = arith.addf %add3A_95, %gather3A_101 : vector<16xf32>
        %scan3A_103 = arith.constant 3 : i32
        %scan3A_104 = arith.addi %scan3A_83, %scan3A_103 : i32
        %get3A_105 = arith.index_cast %scan3A_104 : i32 to index
        %get3A_106 = arith.index_cast %mul3A_72 : i32 to index
        %get3A_107 = tpu.vector_load %arg6[%get3A_105, %get3A_106] {strides = array<i32>} : memref<40x512xi32, #tpu.memory_space<vmem>>, vector<16xi32>,
        %gather3A_108 = tpu.vector_load_idx %arg7[%get3A_107] : memref<1000xf32, #tpu.memory_space<vmem>>[vector<16xi32>], vector<16xf32>,
        %add3A_109 = arith.addf %add3A_102, %gather3A_108 : vector<16xf32>
        %scan3A_110 = arith.constant 4 : i32
        %scan3A_111 = arith.addi %scan3A_83, %scan3A_110 : i32
        %get3A_112 = arith.index_cast %scan3A_111 : i32 to index
        %get3A_113 = arith.index_cast %mul3A_72 : i32 to index
        %get3A_114 = tpu.vector_load %arg6[%get3A_112, %get3A_113] {strides = array<i32>} : memref<40x512xi32, #tpu.memory_space<vmem>>, vector<16xi32>,
        %gather3A_115 = tpu.vector_load_idx %arg7[%get3A_114] : memref<1000xf32, #tpu.memory_space<vmem>>[vector<16xi32>], vector<16xf32>,
        %add3A_116 = arith.addf %add3A_109, %gather3A_115 : vector<16xf32>
        %scan3A_117 = arith.constant 5 : i32
        %scan3A_118 = arith.addi %scan3A_83, %scan3A_117 : i32
        %get3A_119 = arith.index_cast %scan3A_118 : i32 to index
        %get3A_120 = arith.index_cast %mul3A_72 : i32 to index
        %get3A_121 = tpu.vector_load %arg6[%get3A_119, %get3A_120] {strides = array<i32>} : memref<40x512xi32, #tpu.memory_space<vmem>>, vector<16xi32>,
        %gather3A_122 = tpu.vector_load_idx %arg7[%get3A_121] : memref<1000xf32, #tpu.memory_space<vmem>>[vector<16xi32>], vector<16xf32>,
        %add3A_123 = arith.addf %add3A_116, %gather3A_122 : vector<16xf32>
        %scan3A_124 = arith.constant 6 : i32
        %scan3A_125 = arith.addi %scan3A_83, %scan3A_124 : i32
        %get3A_126 = arith.index_cast %scan3A_125 : i32 to index
        %get3A_127 = arith.index_cast %mul3A_72 : i32 to index
        %get3A_128 = tpu.vector_load %arg6[%get3A_126, %get3A_127] {strides = array<i32>} : memref<40x512xi32, #tpu.memory_space<vmem>>, vector<16xi32>,
        %gather3A_129 = tpu.vector_load_idx %arg7[%get3A_128] : memref<1000xf32, #tpu.memory_space<vmem>>[vector<16xi32>], vector<16xf32>,
        %add3A_130 = arith.addf %add3A_123, %gather3A_129 : vector<16xf32>
        %scan3A_131 = arith.constant 7 : i32
        %scan3A_132 = arith.addi %scan3A_83, %scan3A_131 : i32
        %get3A_133 = arith.index_cast %scan3A_132 : i32 to index
        %get3A_134 = arith.index_cast %mul3A_72 : i32 to index
        %get3A_135 = tpu.vector_load %arg6[%get3A_133, %get3A_134] {strides = array<i32>} : memref<40x512xi32, #tpu.memory_space<vmem>>, vector<16xi32>,
        %gather3A_136 = tpu.vector_load_idx %arg7[%get3A_135] : memref<1000xf32, #tpu.memory_space<vmem>>[vector<16xi32>], vector<16xf32>,
        %add3A_137 = arith.addf %add3A_130, %gather3A_136 : vector<16xf32>
        scf.yield %add3A_137 : vector<16xf32>
      }
      %scan3A_79 = arith.constant 40 : i32
      %get3A = arith.index_cast %mul3A_72 : i32 to index
      %get3A_80 = tpu.vector_load %arg8[%get3A] {strides = array<i32>} : memref<512xf32, #tpu.memory_space<vmem>>, vector<16xf32>,
      %add3A_81 = arith.addf %scan3A_78, %get3A_80 : vector<16xf32>
      %swap3A = arith.index_cast %mul3A_72 : i32 to index
      %swap3A_82 = tpu.vector_load %arg8[%swap3A] {strides = array<i32>} : memref<512xf32, #tpu.memory_space<vmem>>, vector<16xf32>,
      tpu.vector_store %arg8[%swap3A], %add3A_81 {strides = array<i32>} : memref<512xf32, #tpu.memory_space<vmem>>, vector<16xf32>,
    }
    %scan3A_59 = arith.constant 32 : i32
    %dma_wait3A_60 = arith.constant 160 : i32
    %dma_wait3A_61 = tpu.memref_slice %arg2[%dma_wait3A_60, %mul3A_2] : memref<200x16384xi32, #tpu.memory_space<hbm>> -> memref<40x512xi32, #tpu.memory_space<hbm>>
    %dma_wait3A_62 = arith.constant 160 : i32
    %dma_wait3A_63 = tpu.memref_slice %arg2[%dma_wait3A_62, %mul3A_2] : memref<200x16384xi32, #tpu.memory_space<hbm>> -> memref<40x512xi32, #tpu.memory_space<hbm>>
    tpu.wait_dma2 semaphore(%arg9 : memref<!tpu.dma_semaphore, #tpu.memory_space<semaphore_mem>>) src(%dma_wait3A_63 : memref<40x512xi32, #tpu.memory_space<hbm>>) dst(%arg5 : memref<40x512xi32, #tpu.memory_space<vmem>>)
    %scan3A_64 = arith.constant 0 : i32
    %scan3A_65 = arith.constant 0 : i32
    %scan3A_66 = arith.constant 32 : i32
    %scan3A_67 = arith.addi %scan3A_65, %scan3A_66 : i32
    %scan3A_68 = arith.constant 1 : i32
    scf.for %scan3A_70 = %scan3A_65 to %scan3A_67 step %scan3A_68  : i32 {
      %mul3A_71 = arith.constant 16 : i32
      %mul3A_72 = arith.muli %scan3A_70, %mul3A_71 : i32
      %broadcast_in_dim3A = arith.constant 0.000000e+00 : f32
      %broadcast_in_dim3A_73 = vector.broadcast %broadcast_in_dim3A : f32 to vector<16xf32>
      %scan3A_74 = arith.constant 0 : i32
      %scan3A_75 = arith.constant 40 : i32
      %scan3A_76 = arith.addi %scan3A_74, %scan3A_75 : i32
      %scan3A_77 = arith.constant 8 : i32
      %scan3A_78 = scf.for %scan3A_90 = %scan3A_74 to %scan3A_76 step %scan3A_77 iter_args(%scan3A_91 = %broadcast_in_dim3A_73) -> (vector<16xf32>)  : i32 {
        %get3A_92 = arith.index_cast %scan3A_90 : i32 to index
        %get3A_93 = arith.index_cast %mul3A_72 : i32 to index
        %get3A_94 = tpu.vector_load %arg5[%get3A_92, %get3A_93] {strides = array<i32>} : memref<40x512xi32, #tpu.memory_space<vmem>>, vector<16xi32>,
        %gather3A = tpu.vector_load_idx %arg7[%get3A_94] : memref<1000xf32, #tpu.memory_space<vmem>>[vector<16xi32>], vector<16xf32>,
        %add3A_95 = arith.addf %scan3A_91, %gather3A : vector<16xf32>
        %scan3A_96 = arith.constant 1 : i32
        %scan3A_97 = arith.addi %scan3A_90, %scan3A_96 : i32
        %get3A_98 = arith.index_cast %scan3A_97 : i32 to index
        %get3A_99 = arith.index_cast %mul3A_72 : i32 to index
        %get3A_100 = tpu.vector_load %arg5[%get3A_98, %get3A_99] {strides = array<i32>} : memref<40x512xi32, #tpu.memory_space<vmem>>, vector<16xi32>,
        %gather3A_101 = tpu.vector_load_idx %arg7[%get3A_100] : memref<1000xf32, #tpu.memory_space<vmem>>[vector<16xi32>], vector<16xf32>,
        %add3A_102 = arith.addf %add3A_95, %gather3A_101 : vector<16xf32>
        %scan3A_103 = arith.constant 2 : i32
        %scan3A_104 = arith.addi %scan3A_90, %scan3A_103 : i32
        %get3A_105 = arith.index_cast %scan3A_104 : i32 to index
        %get3A_106 = arith.index_cast %mul3A_72 : i32 to index
        %get3A_107 = tpu.vector_load %arg5[%get3A_105, %get3A_106] {strides = array<i32>} : memref<40x512xi32, #tpu.memory_space<vmem>>, vector<16xi32>,
        %gather3A_108 = tpu.vector_load_idx %arg7[%get3A_107] : memref<1000xf32, #tpu.memory_space<vmem>>[vector<16xi32>], vector<16xf32>,
        %add3A_109 = arith.addf %add3A_102, %gather3A_108 : vector<16xf32>
        %scan3A_110 = arith.constant 3 : i32
        %scan3A_111 = arith.addi %scan3A_90, %scan3A_110 : i32
        %get3A_112 = arith.index_cast %scan3A_111 : i32 to index
        %get3A_113 = arith.index_cast %mul3A_72 : i32 to index
        %get3A_114 = tpu.vector_load %arg5[%get3A_112, %get3A_113] {strides = array<i32>} : memref<40x512xi32, #tpu.memory_space<vmem>>, vector<16xi32>,
        %gather3A_115 = tpu.vector_load_idx %arg7[%get3A_114] : memref<1000xf32, #tpu.memory_space<vmem>>[vector<16xi32>], vector<16xf32>,
        %add3A_116 = arith.addf %add3A_109, %gather3A_115 : vector<16xf32>
        %scan3A_117 = arith.constant 4 : i32
        %scan3A_118 = arith.addi %scan3A_90, %scan3A_117 : i32
        %get3A_119 = arith.index_cast %scan3A_118 : i32 to index
        %get3A_120 = arith.index_cast %mul3A_72 : i32 to index
        %get3A_121 = tpu.vector_load %arg5[%get3A_119, %get3A_120] {strides = array<i32>} : memref<40x512xi32, #tpu.memory_space<vmem>>, vector<16xi32>,
        %gather3A_122 = tpu.vector_load_idx %arg7[%get3A_121] : memref<1000xf32, #tpu.memory_space<vmem>>[vector<16xi32>], vector<16xf32>,
        %add3A_123 = arith.addf %add3A_116, %gather3A_122 : vector<16xf32>
        %scan3A_124 = arith.constant 5 : i32
        %scan3A_125 = arith.addi %scan3A_90, %scan3A_124 : i32
        %get3A_126 = arith.index_cast %scan3A_125 : i32 to index
        %get3A_127 = arith.index_cast %mul3A_72 : i32 to index
        %get3A_128 = tpu.vector_load %arg5[%get3A_126, %get3A_127] {strides = array<i32>} : memref<40x512xi32, #tpu.memory_space<vmem>>, vector<16xi32>,
        %gather3A_129 = tpu.vector_load_idx %arg7[%get3A_128] : memref<1000xf32, #tpu.memory_space<vmem>>[vector<16xi32>], vector<16xf32>,
        %add3A_130 = arith.addf %add3A_123, %gather3A_129 : vector<16xf32>
        %scan3A_131 = arith.constant 6 : i32
        %scan3A_132 = arith.addi %scan3A_90, %scan3A_131 : i32
        %get3A_133 = arith.index_cast %scan3A_132 : i32 to index
        %get3A_134 = arith.index_cast %mul3A_72 : i32 to index
        %get3A_135 = tpu.vector_load %arg5[%get3A_133, %get3A_134] {strides = array<i32>} : memref<40x512xi32, #tpu.memory_space<vmem>>, vector<16xi32>,
        %gather3A_136 = tpu.vector_load_idx %arg7[%get3A_135] : memref<1000xf32, #tpu.memory_space<vmem>>[vector<16xi32>], vector<16xf32>,
        %add3A_137 = arith.addf %add3A_130, %gather3A_136 : vector<16xf32>
        %scan3A_138 = arith.constant 7 : i32
        %scan3A_139 = arith.addi %scan3A_90, %scan3A_138 : i32
        %get3A_140 = arith.index_cast %scan3A_139 : i32 to index
        %get3A_141 = arith.index_cast %mul3A_72 : i32 to index
        %get3A_142 = tpu.vector_load %arg5[%get3A_140, %get3A_141] {strides = array<i32>} : memref<40x512xi32, #tpu.memory_space<vmem>>, vector<16xi32>,
        %gather3A_143 = tpu.vector_load_idx %arg7[%get3A_142] : memref<1000xf32, #tpu.memory_space<vmem>>[vector<16xi32>], vector<16xf32>,
        %add3A_144 = arith.addf %add3A_137, %gather3A_143 : vector<16xf32>
        scf.yield %add3A_144 : vector<16xf32>
      }
      %scan3A_79 = arith.constant 40 : i32
      %get3A = arith.index_cast %mul3A_72 : i32 to index
      %get3A_80 = tpu.vector_load %arg8[%get3A] {strides = array<i32>} : memref<512xf32, #tpu.memory_space<vmem>>, vector<16xf32>,
      %add3A_81 = arith.addf %scan3A_78, %get3A_80 : vector<16xf32>
      %neg3A = arith.constant 0.000000e+00 : f32
      %neg3A_82 = vector.broadcast %neg3A : f32 to vector<16xf32>
      %neg3A_83 = arith.subf %neg3A_82, %add3A_81 : vector<16xf32>
      %exp3A = math.exp %neg3A_83 : vector<16xf32>
      %add3A_84 = arith.constant 1.000000e+00 : f32
      %add3A_85 = vector.broadcast %add3A_84 : f32 to vector<16xf32>
      %add3A_86 = arith.addf %add3A_85, %exp3A : vector<16xf32>
      %div3A = arith.constant 1.000000e+00 : f32
      %div3A_87 = vector.broadcast %div3A : f32 to vector<16xf32>
      %div3A_88 = arith.divf %div3A_87, %add3A_86 : vector<16xf32>
      %swap3A = arith.index_cast %mul3A_72 : i32 to index
      %swap3A_89 = tpu.vector_load %arg8[%swap3A] {strides = array<i32>} : memref<512xf32, #tpu.memory_space<vmem>>, vector<16xf32>,
      tpu.vector_store %arg8[%swap3A], %div3A_88 {strides = array<i32>} : memref<512xf32, #tpu.memory_space<vmem>>, vector<16xf32>,
    }
    %scan3A_69 = arith.constant 32 : i32
    "tpu.region"() ({
      %run_scoped3A = tpu.sem_alloc : memref<!tpu.dma_semaphore, #tpu.memory_space<semaphore_mem>>
      %dma_start3A_70 = tpu.memref_slice %arg4[%mul3A_2] : memref<16384xf32, #tpu.memory_space<hbm>> -> memref<512xf32, #tpu.memory_space<hbm>>
      %dma_start3A_71 = tpu.memref_slice %arg4[%mul3A_2] : memref<16384xf32, #tpu.memory_space<hbm>> -> memref<512xf32, #tpu.memory_space<hbm>>
      tpu.enqueue_dma source(%arg8 : memref<512xf32, #tpu.memory_space<vmem>>) target(%dma_start3A_71 : memref<512xf32, #tpu.memory_space<hbm>>) target_semaphore(%run_scoped3A : memref<!tpu.dma_semaphore, #tpu.memory_space<semaphore_mem>>)
      %dma_wait3A_72 = tpu.memref_slice %arg4[%mul3A_2] : memref<16384xf32, #tpu.memory_space<hbm>> -> memref<512xf32, #tpu.memory_space<hbm>>
      %dma_wait3A_73 = tpu.memref_slice %arg4[%mul3A_2] : memref<16384xf32, #tpu.memory_space<hbm>> -> memref<512xf32, #tpu.memory_space<hbm>>
      tpu.wait_dma2 semaphore(%run_scoped3A : memref<!tpu.dma_semaphore, #tpu.memory_space<semaphore_mem>>) src(%arg8 : memref<512xf32, #tpu.memory_space<vmem>>) dst(%dma_wait3A_73 : memref<512xf32, #tpu.memory_space<hbm>>)
      tpu.yield
    }) : () -> ()
    return
  }
}

module attributes {stable_mosaic.version = 14 : i64} {
  func.func @_table_kernel(%arg0: memref<64x1000xf32, #tpu.memory_space<vmem>>, %arg1: memref<64xf32, #tpu.memory_space<vmem>>, %arg2: memref<1xf32, #tpu.memory_space<vmem>>, %arg3: memref<1000xf32, #tpu.memory_space<vmem>>) attributes {dimension_semantics = [], scalar_prefetch = 0 : i64, scratch_operands = 0 : i64, tpu.core_type = #tpu.core_type<tc>} {
    %get3A = arith.constant 0 : index
    %get3A_0 = arith.constant 0 : index
    %get3A_1 = vector.load %arg0[%get3A, %get3A_0] : memref<64x1000xf32, #tpu.memory_space<vmem>>, vector<64x1000xf32>
    %get3A_2 = arith.constant 0 : index
    %get3A_3 = vector.load %arg1[%get3A_2] : memref<64xf32, #tpu.memory_space<vmem>>, vector<64xf32>
    %broadcast_in_dim3A = vector.shape_cast %get3A_3 : vector<64xf32> to vector<64x1xf32>
    %mul3A = vector.broadcast %broadcast_in_dim3A : vector<64x1xf32> to vector<64x1000xf32>
    %mul3A_4 = arith.mulf %get3A_1, %mul3A : vector<64x1000xf32>
    %reduce_sum3A = arith.constant dense<0.000000e+00> : vector<1000xf32>
    %reduce_sum3A_5 = vector.multi_reduction <add>, %mul3A_4, %reduce_sum3A [0] : vector<64x1000xf32> to vector<1000xf32>
    %get3A_6 = arith.constant 0 : index
    %get3A_7 = vector.load %arg2[%get3A_6] : memref<1xf32, #tpu.memory_space<vmem>>, vector<1xf32>
    %get3A_8 = vector.extract %get3A_7[0] : f32 from vector<1xf32>
    %add3A = vector.broadcast %get3A_8 : f32 to vector<1000xf32>
    %add3A_9 = arith.addf %reduce_sum3A_5, %add3A : vector<1000xf32>
    %mul3A_10 = arith.constant 5.000000e-03 : f32
    %mul3A_11 = vector.broadcast %mul3A_10 : f32 to vector<1000xf32>
    %mul3A_12 = arith.mulf %add3A_9, %mul3A_11 : vector<1000xf32>
    %swap3A = arith.constant 0 : index
    %swap3A_13 = vector.load %arg3[%swap3A] : memref<1000xf32, #tpu.memory_space<vmem>>, vector<1000xf32>
    tpu.vector_store %arg3[%swap3A], %mul3A_12 {strides = array<i32>} : memref<1000xf32, #tpu.memory_space<vmem>>, vector<1000xf32>,
    return
  }
}

</mosaic_0001>

<sc_bundles>
// kernel: kernel.4.cloned.1.call-start
scs
__scs_entry_jumppad:
0x0: {  	(pc) =	sbr.rel $0x88, $3  }
0x1: {  	(tag) =	ssettag $0x0;
	lr =	simm.s32 $0x1  }
0x2: {  	[smem:$0x3F9D] =	sst lr;
	_ =	strace $0xD0000000  }
0x3: {  	_ = 	snop  }
0x4: {  	_ = 	snop  }
0x5: {  	_ = 	snop  }
0x6: {  	_ = 	snop  }
0x7: {  	_ = 	snop  }
__scs_overlays_trampoline_lowered:
0x8: {  	[smem:$0x3FAC] =	sst s0  }
0x9: {  	[smem:$0x3FAD] =	sst s1  }
0xa: {  	[smem:$0x3FAE] =	sst s2  }
0xb: {  	[smem:$0x3FAF] =	sst s3  }
0xc: {  	[smem:$0x3FB0] =	sst s4  }
0xd: {  	[smem:$0x3FB1] =	sst s5  }
0xe: {  	[smem:$0x3FB2] =	sst s6  }
0xf: {  	[smem:$0x3FB3] =	sst s7  }
0x10: {  	[smem:$0x3FB4] =	sst s8  }
0x11: {  	[smem:$0x3FB5] =	sst s9;
	s0 =	simm.s32 @!p0 $0x0  }
0x12: {  	s1 =	sld [smem:$0x3F9B];
	s0 =	simm.s32 @p0 $0x1  }
0x13: {  	[smem:$0x3FB6] =	sst s0;
	s0 =	simm.s32 @!p1 $0x0  }
0x14: {  	s2 =	sld [smem:$0x3F9A];
	s0 =	simm.s32 @p1 $0x1  }
0x15: {  	[smem:$0x3FB7] =	sst s0;
	s0 =	simm.s32 @!p2 $0x0  }
0x16: {  	s3 =	sld [smem:$0x3FDB];
	s0 =	simm.s32 @p2 $0x1  }
0x17: {  	s4 =	simm.s32 $0x1BF5;
	[smem:$0x3FB9] =	sst s0  }
0x18: {  	s0 =	sld [smem:$0x3F9C];
	_ =	swait.ge [sflag:s4], $0x0  }
0x19: {  	s7 =	sld [smem:$0x3F9D]  }
0x1a: {  	s8 =	sadd.s32 $0xFFFFE003, lr  }
0x1b: {  	s9 =	sadd.s32 $0xFFFFFEF7, lr;
	s5 =	simm.s32 $0xFFFFFFFF;
	p2 =	slt.u32 s8, $0xFFFFF086  }
0x1c: {  	p1 =	slt.u32 s9, $0xF7A;
	s5 =	simm.s32 @!p2 $0x0  }
0x1d: {  	s5 =	simm.s32 @p1 $0x1;
	p0 =	seq.s32 s7, s2  }
0x1e: {  	s7 =	smul.u32 @!p0 $0xF7A, s2;
	p2 =	seq.s32 @!p0 s5, $0x0  }
0x1f: {  	s9 =	smul.u32 $0xF7A, s1;
	s8 =	simm.s32 @!p0 $0x1BF5;
	p2 =	por !p2, p0  }
0x20: {  	[sflag:s8] =	ssyncset.s32 @!p0 $0xFFFFF086;
	s6 =	sadd.s32 @!p0 s3, s7;
	s7 =	simm.s32 @!p0 $0x108  }
0x21: {  	s3 =	sadd.s32 s3, s9;
	s6 =	sadd.s32 @!p0 $0x88, s6;
	s7 =	simm.s32 @p2 $0x1082  }
0x22: {  	[simem:s7], [sflag:s8] =	dma.local @!p0 [hbm:s6], $0xF7A  }
0x23: {  	s9 =	sor.u32 $0xD0000000, s2;
	s6 =	simm.s32 $0x108;
	_ =	swait.ge @!p0 [sflag:s8], $0x0  }
0x24: {  	s3 =	sadd.s32 $0x88, s3;
	s6 =	simm.s32 @!p1 $0x1082;
	[sflag:s4] =	ssyncset.s32 $0xFFFFF086  }
0x25: {  	[simem:s6], [sflag:s4] =	dma.local [hbm:s3], $0xF7A  }
0x26: {  	[smem:$0x3F9D] =	sst s1;
	(tag) =	ssettag s2;
	_ =	strace s9  }
0x27: {  	s1 =	sld [smem:$0x3FAD]  }
0x28: {  	s2 =	sld [smem:$0x3FAE]  }
0x29: {  	s4 =	sld [smem:$0x3FB0]  }
0x2a: {  	p0 =	seq.s32 s5, $0x0;
	s5 =	sld [smem:$0x3FB1]  }
0x2b: {  	s6 =	sld [smem:$0x3FB2]  }
0x2c: {  	s7 =	sld [smem:$0x3FB3]  }
0x2d: {  	s3 =	simm.s32 $0x108;
	s8 =	sld [smem:$0x3FB4]  }
0x2e: {  	s3 =	simm.s32 @!p0 $0x1082;
	s9 =	sld [smem:$0x3FB5]  }
0x2f: {  	lr =	sadd.s32 s0, s3;
	s0 =	sld [smem:$0x3FAC]  }
0x30: {  	s3 =	sld [smem:$0x3FAF]  }
0x31: {  	[smem:$0x3FB8] =	sst s10  }
0x32: {  	s10 =	sld [smem:$0x3FB6];
	_ =	sdelay $0x3  }
0x33: {  	p0 =	seq.s32 s10, $0x1;
	s10 =	sld [smem:$0x3FB8];
	_ =	sdelay $0x3  }
0x34: {  	[smem:$0x3FB8] =	sst s10  }
0x35: {  	s10 =	sld [smem:$0x3FB7];
	_ =	sdelay $0x3  }
0x36: {  	p1 =	seq.s32 s10, $0x1;
	s10 =	sld [smem:$0x3FB8];
	_ =	sdelay $0x3  }
0x37: {  	[smem:$0x3FB8] =	sst s10  }
0x38: {  	s10 =	sld [smem:$0x3FB9]  }
0x39: {  	_ = 	snop;
	(pc) =	sbr.ind lr, $3  }
0x3a: {  	_ = 	snop  }
0x3b: {  	_ = 	snop  }
0x3c: {  	p2 =	seq.s32 s10, $0x1;
	s10 =	sld [smem:$0x3FB8]  }
0x3d: {  	_ =	shalt  }
0x3e: {  	_ =	shalt  }
0x3f: {  	_ =	shalt  }
0x40: {  	_ =	shalt  }
0x41: {  	_ =	shalt  }
0x42: {  	_ =	shalt  }
0x43: {  	_ =	shalt  }
0x44: {  	_ =	shalt  }
0x45: {  	_ =	shalt  }
0x46: {  	_ =	shalt  }
0x47: {  	_ =	shalt  }
0x48: {  	_ =	shalt  }
0x49: {  	_ =	shalt  }
0x4a: {  	_ =	shalt  }
0x4b: {  	_ =	shalt  }
0x4c: {  	_ =	shalt  }
0x4d: {  	_ =	shalt  }
0x4e: {  	_ =	shalt  }
0x4f: {  	_ =	shalt  }
0x50: {  	_ =	shalt  }
0x51: {  	_ =	shalt  }
0x52: {  	_ =	shalt  }
0x53: {  	_ =	shalt  }
0x54: {  	_ =	shalt  }
0x55: {  	_ =	shalt  }
0x56: {  	_ =	shalt  }
0x57: {  	_ =	shalt  }
0x58: {  	_ =	shalt  }
0x59: {  	_ =	shalt  }
0x5a: {  	_ =	shalt  }
0x5b: {  	_ =	shalt  }
0x5c: {  	_ =	shalt  }
0x5d: {  	_ =	shalt  }
0x5e: {  	_ =	shalt  }
0x5f: {  	_ =	shalt  }
0x60: {  	_ =	shalt  }
0x61: {  	_ =	shalt  }
0x62: {  	_ =	shalt  }
0x63: {  	_ =	shalt  }
0x64: {  	_ =	shalt  }
0x65: {  	_ =	shalt  }
0x66: {  	_ =	shalt  }
0x67: {  	_ =	shalt  }
0x68: {  	_ =	shalt  }
0x69: {  	_ =	shalt  }
0x6a: {  	_ =	shalt  }
0x6b: {  	_ =	shalt  }
0x6c: {  	_ =	shalt  }
0x6d: {  	_ =	shalt  }
0x6e: {  	_ =	shalt  }
0x6f: {  	_ =	shalt  }
0x70: {  	_ =	shalt  }
0x71: {  	_ =	shalt  }
0x72: {  	_ =	shalt  }
0x73: {  	_ =	shalt  }
0x74: {  	_ =	shalt  }
0x75: {  	_ =	shalt  }
0x76: {  	_ =	shalt  }
0x77: {  	_ =	shalt  }
0x78: {  	_ =	shalt  }
0x79: {  	_ =	shalt  }
0x7a: {  	_ =	shalt  }
0x7b: {  	_ =	shalt  }
0x7c: {  	_ =	shalt  }
0x7d: {  	_ =	shalt  }
0x7e: {  	_ =	shalt  }
0x7f: {  	_ =	shalt  }
0x80: {  	_ =	shalt  }
0x81: {  	_ =	shalt  }
0x82: {  	_ =	shalt  }
0x83: {  	_ =	shalt  }
0x84: {  	_ =	shalt  }
0x85: {  	_ =	shalt  }
0x86: {  	_ =	shalt  }
0x87: {  	_ =	shalt  }
.Lfunc_end0:
.L_simem_size_0:
called_computation_lowered:
.L_overlay_start_0:
0x88: {  	s2 =	sld [smem:$0x3FD9]  }
0x89: {  	s3 =	sld [smem:$0x3FFE];
	_ =	sdelay $0x1  }
0x8a: {  	s1 =	srdreg.scid  }
0x8b: {  	s0 =	sand.u32 $0x1, s1  }
0x8c: {  	s17 =	sshll.u32 s0, $0xA;
	s2 =	sadd.s32 s3, s2  }
0x8d: {  	s2 =	sadd.s32 s2, s17  }
0x8e: {  	[smem:$0x3FC4] =	sst s2  }
0x8f: {  	_ = 	snop  }
0x90: {  	s2 =	sld [smem:$0x3FC9]  }
0x91: {  	s18 =	sld [smem:$0x3FD0];
	(tm) =	ssettm $0x1  }
0x92: {  	s4 =	sld [smem:$0x3FFB];
	_ =	sdelay $0x3  }
0x93: {  	_ =	strace s4  }
0x94: {  	s4 =	sld [smem:$0x3FFC];
	_ =	sdelay $0x3  }
0x95: {  	_ =	strace s4  }
0x96: {  	s4 =	sld [smem:$0x3FFD];
	_ =	sdelay $0x3  }
0x97: {  	_ =	strace s4  }
0x98: {  	_ =	strace $0x8FFFFFFF  }
0x99: {  	s19 =	sld [smem:$0x3FDB];
	_ =	sdelay $0x1  }
0x9a: {  	s5 =	simm.s32 $_scs_section_size  }
0x9b: {  	s6 =	simm.s32 $_size__tile_overlayer_lowered;
	s7 =	simm.s32 $_tile_overlayer_lowered  }
0x9c: {  	s22 =	simm.s32 $0x1BFF;
	s21 =	sshll.u32 s7, $0x1;
	s4 =	sadd.s32 s5, s19  }
0x9d: {  	s8 =	simm.s32 $0x0;
	s20 =	sshll.u32 s6, $0x1;
	s6 =	sadd.s32 s21, s4  }
0x9e: {  	[timem:s8], [sflag:s22] =	dma.local [hbm:s6], s20  }
0x9f: {  	_ =	swait.ge [sflag:s22], s20  }
0xa0: {  	s5 =	ssub.s32 $0x0, s20;
	[sflag:s22] =	ssyncset.done $0x0  }
0xa1: {  	[sflag:s22] =	ssyncadd.s32 s5;
	_ =	sdelay $0x1  }
0xa2: {  	s23 =	simm.s32 $0x1B8B  }
0xa3: {  	_ =	swait.ge [sflag:s23], $0x1  }
0xa4: {  	[sflag:s23] =	ssyncset.done $0x0  }
0xa5: {  	s25 =	simm.s32 $0x1B8E;
	s24 =	sld [smem:$0x3FFE];
	[sflag:s23] =	ssyncadd.s32 $0xFFFFFFFF  }
0xa6: {  	s26 =	simm.s32 $execute0_lowered;
	[smem:$0x3FD2] =	sst s25  }
0xa7: {  	s6 =	sshll.u32 s26, $0x1;
	_ =	strace $0x80000046;
	[dreg:$0x1] =	wrdreg $0xFFFFFFFF  }
0xa8: {  	s28 =	simm.s32 $_size_execute0_lowered;
	s4 =	sadd.s32 s4, s6;
	[dreg:$0x0] =	wrdreg $0x0  }
0xa9: {  	s6 =	sshll.u32 s28, $0x1;
	[dreg:$0x2] =	wrdreg s4  }
0xaa: {  	[dreg:$0x3] =	wrdreg s6  }
0xab: {  	[dreg:$0x4] =	wrdreg $0xC0  }
0xac: {  	_ =	task [dreg:s8], $0x5FFFF  }
0xad: {  	[dreg:$0x1] =	wrdreg $0xFFFFFFFF  }
0xae: {  	[dreg:$0x0] =	wrdreg $0x60  }
0xaf: {  	[dreg:$0x2] =	wrdreg s2  }
0xb0: {  	[dreg:$0x3] =	wrdreg s24  }
0xb1: {  	[dreg:$0x4] =	wrdreg s18  }
0xb2: {  	[dreg:$0x5] =	wrdreg $0x9  }
0xb3: {  	_ =	task.clear_ibuf [dreg:s8], $0x6FFFF;
	_ =	strace $0x90000046  }
0xb4: {  	s29 =	simm.s32 $0x9;
	_ =	strace $0x80000048  }
0xb5: {  	_ =	swait.ge [sflag:s29], $0x1  }
0xb6: {  	[sflag:s29] =	ssyncadd.s32 $0xFFFFFFFF  }
0xb7: {  	_ =	strace $0x90000048  }
0xb8: {  	_ =	sfence  }
0xb9: {  	s30 =	sld [smem:$0x0];
	_ =	sdelay $0x2  }
0xba: {  	s31 =	sshll.u32 s1, $0xD;
	s1 =	sshrl.u32 s1, $0x2  }
0xbb: {  	s3 =	sand.u32 $0x4000, s31;
	s1 =	sadd.s32 s1, s30  }
0xbc: {  	s0 =	sor.u32 s3, s0;
	s1 =	sshll.u32 s1, $0x11  }
0xbd: {  	s0 =	sor.u32 s1, s0  }
0xbe: {  	s0 =	sadd.s32 $0x8F2B, s0  }
0xbf: {  	[sflag:s0] =	ssyncadd.remote.s32 $0x1  }
0xc0: {  	_ =	sfence.sel $0xFFFF  }
0xc1: {  	[dreg:$0x0] =	wrdreg $0xFFFFFFFF;
	(pc) =	sbr.abs _section_cstart, $3  }
0xc2: {  	[dreg:$0x1] =	wrdreg $0xFFFFFFFF  }
0xc3: {  	_ =	task.clear_ibuf [dreg:s8], $0x2FFFF;
	_ =	strace $0x9FFFFFFF  }
0xc4: {  	(tm) =	ssettm $0x7FFFFFFF  }
0xc5: {  	_ =	shalt  }
tec
execute0_lowered:
.L_overlay_start_1:
0x0: {  	(tag) =	ssettag $0x1  }
0x1: {  	s3 =	rddreg [dreg:$0x0]  }
0x2: {  	s4 =	rddreg [dreg:$0x1]  }
0x3: {  	s9 =	rddreg [dreg:$0x2];
	s2 =	srdreg.scid  }
0x4: {  	s0 =	rddreg [dreg:$0x3];
	s1 =	stileid.u32;
	s12 =	simm.s32 $0x20000  }
0x5: {  	s13 =	simm.s32 $0x5000;
	s14 =	simm.s32 $0xA000;
	s15 =	simm.s32 $0x3  }
0x6: {  	s16 =	simm.s32 $0x1;
	s17 =	simm.s32 $0x2;
	s18 =	simm.s32 $0xA400  }
0x7: {  	s19 =	simm.s32 $0x0;
	s5 =	sand.u32 $0x1, s2;
	s2 =	simm.s32 $0x0  }
0x8: {  	s6 =	sshll.u32 s1, $0xA;
	s4 =	sadd.s32 $0xA00, s4;
	s7 =	sshll.u32 s5, $0x9  }
0x9: {  	[smem:$0x7FF] =	sst s2;
	s5 =	ssub.s32 $0x2, s5;
	s8 =	sor.u32 s7, s6  }
0xa: {  	_ =	strace $0x80000047;
	s31 =	sshrl.u32 s5, $0x1;
	s3 =	sadd.s32 s3, s8  }
0xb: {  	s10 =	ssub.s32 s5, s31;
	s11 =	sshrl.u32 s8, $0x3;
	s5 =	sadd.s32 $0x14000, s3  }
0xc: {  	s6 =	sadd.s32 $0x28000, s3;
	s7 =	sadd.s32 $0x3C000, s3;
	s8 =	sadd.s32 $0x50000, s3  }
0xd: {  	s9 =	sadd.s32 s9, s11;
	s10 =	smax.u32 s10, $0x1;
	s11 =	simm.s32 $0x1000  }
.LBB2_1:
0xe: {  	[tilespmem:s2], [sflag:$0x1] =	stream.strided.gather [hbm4b:s3+s11], $0x5000, s12, s11, $0x38;
	[tilespmem:$0xA600] =	vst v63  }
0xf: {  	_ = 	snop  }
0x10: {  	[tilespmem:s13], [sflag:$0x2] =	stream.strided.gather [hbm4b:s5+s11], $0x5000, s12, s11, $0x38;
	[tilespmem:$0xA600] =	vst v63  }
0x11: {  	_ = 	snop  }
0x12: {  	[tilespmem:s14], [sflag:$0x3] =	stream.linear.gather [hbm4b:s4+s2], $0x400, $0x38;
	[tilespmem:$0xA600] =	vst v63  }
0x13: {  	_ =	swait.ge [sflag:s15], $0x400  }
0x14: {  	[sflag:s15] =	ssyncset.done $0x0  }
0x15: {  	[sflag:s15] =	ssyncadd.s32 $0xFFFFFC00  }
0x16: {  	_ =	swait.ge [sflag:s16], $0x5000  }
0x17: {  	s20 =	sand.u32 $0x70, s2;
	s21 =	sand.u32 $0xC00, s2;
	[sflag:s16] =	ssyncset.done $0x0  }
0x18: {  	s20 =	sor.u32 s20, s21;
	[sflag:s16] =	ssyncadd.s32 $0xFFFFB000  }
0x19: {  	v0 =	vld [tilespmem:s20+$0x0];
	_ =	sdelay $0x1  }
0x1a: {  	v1 =	vld [tilespmem:s20+$0x80];
	_ =	sdelay $0x1  }
0x1b: {  	v2 =	vld [tilespmem:s20+$0x100];
	_ =	sdelay $0x1  }
0x1c: {  	v3 =	vld [tilespmem:s20+$0x180]  }
0x1d: {  	v4 =	vld [tilespmem:s20+$0x200]  }
0x1e: {  	v0 =	vld.idx.msk [tilespmem:v0+s14+$0x0], $0xffff  }
0x1f: {  	v5 =	vld [tilespmem:s20+$0x280]  }
0x20: {  	v1 =	vld.idx.msk [tilespmem:v1+s14+$0x0], $0xffff  }
0x21: {  	v6 =	vld [tilespmem:s20+$0x300]  }
0x22: {  	v2 =	vld.idx.msk [tilespmem:v2+s14+$0x0], $0xffff  }
0x23: {  	v7 =	vld [tilespmem:s20+$0x380];
	v0 =	vadd.f32 $0.0e+00, v0  }
0x24: {  	v3 =	vld.idx.msk [tilespmem:v3+s14+$0x0], $0xffff  }
0x25: {  	v8 =	vld [tilespmem:s20+$0x1000];
	v0 =	vadd.f32 v1, v0  }
0x26: {  	v1 =	vld.idx.msk [tilespmem:v4+s14+$0x0], $0xffff  }
0x27: {  	v33 =	vld [tilespmem:s20+$0x1080];
	v0 =	vadd.f32 v2, v0  }
0x28: {  	v2 =	vld.idx.msk [tilespmem:v5+s14+$0x0], $0xffff  }
0x29: {  	v34 =	vld [tilespmem:s20+$0x1100];
	v0 =	vadd.f32 v3, v0  }
0x2a: {  	v3 =	vld.idx.msk [tilespmem:v6+s14+$0x0], $0xffff  }
0x2b: {  	v35 =	vld [tilespmem:s20+$0x1180];
	v0 =	vadd.f32 v1, v0  }
0x2c: {  	v1 =	vld.idx.msk [tilespmem:v7+s14+$0x0], $0xffff  }
0x2d: {  	v36 =	vld [tilespmem:s20+$0x1200];
	v0 =	vadd.f32 v2, v0  }
0x2e: {  	v2 =	vld.idx.msk [tilespmem:v8+s14+$0x0], $0xffff  }
0x2f: {  	v37 =	vld [tilespmem:s20+$0x1280];
	v0 =	vadd.f32 v3, v0  }
0x30: {  	v3 =	vld.idx.msk [tilespmem:v33+s14+$0x0], $0xffff  }
0x31: {  	v38 =	vld [tilespmem:s20+$0x1300];
	v0 =	vadd.f32 v1, v0  }
0x32: {  	v1 =	vld.idx.msk [tilespmem:v34+s14+$0x0], $0xffff  }
0x33: {  	v39 =	vld [tilespmem:s20+$0x1380];
	v0 =	vadd.f32 v2, v0  }
0x34: {  	v2 =	vld.idx.msk [tilespmem:v35+s14+$0x0], $0xffff  }
0x35: {  	v40 =	vld [tilespmem:s20+$0x2000];
	v0 =	vadd.f32 v3, v0  }
0x36: {  	v3 =	vld.idx.msk [tilespmem:v36+s14+$0x0], $0xffff  }
0x37: {  	v41 =	vld [tilespmem:s20+$0x2080];
	v0 =	vadd.f32 v1, v0  }
0x38: {  	v1 =	vld.idx.msk [tilespmem:v37+s14+$0x0], $0xffff  }
0x39: {  	v42 =	vld [tilespmem:s20+$0x2100];
	v0 =	vadd.f32 v2, v0  }
0x3a: {  	v2 =	vld.idx.msk [tilespmem:v38+s14+$0x0], $0xffff  }
0x3b: {  	v43 =	vld [tilespmem:s20+$0x2180];
	v0 =	vadd.f32 v3, v0  }
0x3c: {  	v3 =	vld.idx.msk [tilespmem:v39+s14+$0x0], $0xffff  }
0x3d: {  	v44 =	vld [tilespmem:s20+$0x2200];
	v0 =	vadd.f32 v1, v0  }
0x3e: {  	v1 =	vld.idx.msk [tilespmem:v40+s14+$0x0], $0xffff  }
0x3f: {  	v45 =	vld [tilespmem:s20+$0x2280];
	v0 =	vadd.f32 v2, v0  }
0x40: {  	v2 =	vld.idx.msk [tilespmem:v41+s14+$0x0], $0xffff  }
0x41: {  	v46 =	vld [tilespmem:s20+$0x2300];
	v0 =	vadd.f32 v3, v0  }
0x42: {  	v3 =	vld.idx.msk [tilespmem:v42+s14+$0x0], $0xffff  }
0x43: {  	v47 =	vld [tilespmem:s20+$0x2380];
	v0 =	vadd.f32 v1, v0  }
0x44: {  	v1 =	vld.idx.msk [tilespmem:v43+s14+$0x0], $0xffff  }
0x45: {  	v48 =	vld [tilespmem:s20+$0x3000];
	v0 =	vadd.f32 v2, v0  }
0x46: {  	v2 =	vld.idx.msk [tilespmem:v44+s14+$0x0], $0xffff  }
0x47: {  	v49 =	vld [tilespmem:s20+$0x3080];
	v0 =	vadd.f32 v3, v0  }
0x48: {  	v3 =	vld.idx.msk [tilespmem:v45+s14+$0x0], $0xffff  }
0x49: {  	v50 =	vld [tilespmem:s20+$0x3100];
	v0 =	vadd.f32 v1, v0  }
0x4a: {  	v1 =	vld.idx.msk [tilespmem:v46+s14+$0x0], $0xffff  }
0x4b: {  	v51 =	vld [tilespmem:s20+$0x3180];
	v0 =	vadd.f32 v2, v0  }
0x4c: {  	v2 =	vld.idx.msk [tilespmem:v47+s14+$0x0], $0xffff  }
0x4d: {  	v52 =	vld [tilespmem:s20+$0x3200];
	v0 =	vadd.f32 v3, v0  }
0x4e: {  	v3 =	vld.idx.msk [tilespmem:v48+s14+$0x0], $0xffff  }
0x4f: {  	v53 =	vld [tilespmem:s20+$0x3280];
	v0 =	vadd.f32 v1, v0  }
0x50: {  	v1 =	vld.idx.msk [tilespmem:v49+s14+$0x0], $0xffff  }
0x51: {  	v54 =	vld [tilespmem:s20+$0x3300];
	v0 =	vadd.f32 v2, v0  }
0x52: {  	v2 =	vld.idx.msk [tilespmem:v50+s14+$0x0], $0xffff  }
0x53: {  	v55 =	vld [tilespmem:s20+$0x3380];
	v0 =	vadd.f32 v3, v0  }
0x54: {  	v3 =	vld.idx.msk [tilespmem:v51+s14+$0x0], $0xffff  }
0x55: {  	v56 =	vld [tilespmem:s20+$0x4000];
	v0 =	vadd.f32 v1, v0  }
0x56: {  	v1 =	vld.idx.msk [tilespmem:v52+s14+$0x0], $0xffff  }
0x57: {  	v57 =	vld [tilespmem:s20+$0x4080];
	v0 =	vadd.f32 v2, v0  }
0x58: {  	v2 =	vld.idx.msk [tilespmem:v53+s14+$0x0], $0xffff  }
0x59: {  	v58 =	vld [tilespmem:s20+$0x4100];
	v0 =	vadd.f32 v3, v0  }
0x5a: {  	v3 =	vld.idx.msk [tilespmem:v54+s14+$0x0], $0xffff  }
0x5b: {  	v59 =	vld [tilespmem:s20+$0x4180];
	v0 =	vadd.f32 v1, v0  }
0x5c: {  	v1 =	vld.idx.msk [tilespmem:v55+s14+$0x0], $0xffff  }
0x5d: {  	v60 =	vld [tilespmem:s20+$0x4200];
	v0 =	vadd.f32 v2, v0  }
0x5e: {  	v2 =	vld.idx.msk [tilespmem:v56+s14+$0x0], $0xffff  }
0x5f: {  	v61 =	vld [tilespmem:s20+$0x4280];
	v0 =	vadd.f32 v3, v0  }
0x60: {  	v3 =	vld.idx.msk [tilespmem:v57+s14+$0x0], $0xffff  }
0x61: {  	v62 =	vld [tilespmem:s20+$0x4300];
	v0 =	vadd.f32 v1, v0  }
0x62: {  	v1 =	vld.idx.msk [tilespmem:v58+s14+$0x0], $0xffff  }
0x63: {  	v63 =	vld [tilespmem:s20+$0x4380];
	v0 =	vadd.f32 v2, v0  }
0x64: {  	v2 =	vld.idx.msk [tilespmem:v59+s14+$0x0], $0xffff  }
0x65: {  	v0 =	vadd.f32 v3, v0  }
0x66: {  	v3 =	vld.idx.msk [tilespmem:v60+s14+$0x0], $0xffff  }
0x67: {  	v0 =	vadd.f32 v1, v0  }
0x68: {  	v1 =	vld.idx.msk [tilespmem:v61+s14+$0x0], $0xffff  }
0x69: {  	v0 =	vadd.f32 v2, v0  }
0x6a: {  	v2 =	vld.idx.msk [tilespmem:v62+s14+$0x0], $0xffff  }
0x6b: {  	v0 =	vadd.f32 v3, v0  }
0x6c: {  	v3 =	vld.idx.msk [tilespmem:v63+s14+$0x0], $0xffff  }
0x6d: {  	v0 =	vadd.f32 v1, v0;
	_ =	sdelay $0x1  }
0x6e: {  	v0 =	vadd.f32 v2, v0;
	_ =	sdelay $0x1  }
0x6f: {  	s31 =	simm.s32 $0x10;
	s22 =	simm.s32 $0x20;
	s21 =	simm.s32 $0x80;
	v0 =	vadd.f32 v3, v0  }
0x70: {  	s23 =	sand.u32 $0x70, s31;
	s24 =	sand.u32 $0xC00, s21;
	s20 =	simm.s32 $0xA400  }
.LBB2_2:
0x71: {  	p0 =	sne.s32 s22, $0x1F0;
	s23 =	sor.u32 s23, s24;
	[tilespmem:s20+$0x0] =	vst v0  }
0x72: {  	v0 =	vld [tilespmem:s23+$0x0];
	_ =	sdelay $0x1  }
0x73: {  	v1 =	vld [tilespmem:s23+$0x80];
	_ =	sdelay $0x1  }
0x74: {  	v2 =	vld [tilespmem:s23+$0x100];
	_ =	sdelay $0x1  }
0x75: {  	v3 =	vld [tilespmem:s23+$0x180]  }
0x76: {  	v4 =	vld [tilespmem:s23+$0x200]  }
0x77: {  	v0 =	vld.idx.msk [tilespmem:v0+s14+$0x0], $0xffff  }
0x78: {  	v5 =	vld [tilespmem:s23+$0x280]  }
0x79: {  	v1 =	vld.idx.msk [tilespmem:v1+s14+$0x0], $0xffff  }
0x7a: {  	v6 =	vld [tilespmem:s23+$0x300]  }
0x7b: {  	v2 =	vld.idx.msk [tilespmem:v2+s14+$0x0], $0xffff  }
0x7c: {  	v7 =	vld [tilespmem:s23+$0x380]  }
0x7d: {  	v0 =	vadd.f32 $0.0e+00, v0;
	v3 =	vld.idx.msk [tilespmem:v3+s14+$0x0], $0xffff  }
0x7e: {  	v8 =	vld [tilespmem:s23+$0x1000]  }
0x7f: {  	v0 =	vadd.f32 v1, v0;
	v1 =	vld.idx.msk [tilespmem:v4+s14+$0x0], $0xffff  }
0x80: {  	v4 =	vld [tilespmem:s23+$0x1080]  }
0x81: {  	v0 =	vadd.f32 v2, v0;
	v2 =	vld.idx.msk [tilespmem:v5+s14+$0x0], $0xffff  }
0x82: {  	v5 =	vld [tilespmem:s23+$0x1100]  }
0x83: {  	v0 =	vadd.f32 v3, v0;
	v3 =	vld.idx.msk [tilespmem:v6+s14+$0x0], $0xffff  }
0x84: {  	v6 =	vld [tilespmem:s23+$0x1180]  }
0x85: {  	v0 =	vadd.f32 v1, v0;
	v1 =	vld.idx.msk [tilespmem:v7+s14+$0x0], $0xffff  }
0x86: {  	v7 =	vld [tilespmem:s23+$0x1200]  }
0x87: {  	v0 =	vadd.f32 v2, v0;
	v2 =	vld.idx.msk [tilespmem:v8+s14+$0x0], $0xffff  }
0x88: {  	v8 =	vld [tilespmem:s23+$0x1280]  }
0x89: {  	v0 =	vadd.f32 v3, v0;
	v3 =	vld.idx.msk [tilespmem:v4+s14+$0x0], $0xffff  }
0x8a: {  	v4 =	vld [tilespmem:s23+$0x1300]  }
0x8b: {  	v0 =	vadd.f32 v1, v0;
	v1 =	vld.idx.msk [tilespmem:v5+s14+$0x0], $0xffff  }
0x8c: {  	v5 =	vld [tilespmem:s23+$0x1380]  }
0x8d: {  	v0 =	vadd.f32 v2, v0;
	v2 =	vld.idx.msk [tilespmem:v6+s14+$0x0], $0xffff  }
0x8e: {  	v6 =	vld [tilespmem:s23+$0x2000]  }
0x8f: {  	v0 =	vadd.f32 v3, v0;
	v3 =	vld.idx.msk [tilespmem:v7+s14+$0x0], $0xffff  }
0x90: {  	v7 =	vld [tilespmem:s23+$0x2080]  }
0x91: {  	v0 =	vadd.f32 v1, v0;
	v1 =	vld.idx.msk [tilespmem:v8+s14+$0x0], $0xffff  }
0x92: {  	v8 =	vld [tilespmem:s23+$0x2100]  }
0x93: {  	v0 =	vadd.f32 v2, v0;
	v2 =	vld.idx.msk [tilespmem:v4+s14+$0x0], $0xffff  }
0x94: {  	v4 =	vld [tilespmem:s23+$0x2180]  }
0x95: {  	v0 =	vadd.f32 v3, v0;
	v3 =	vld.idx.msk [tilespmem:v5+s14+$0x0], $0xffff  }
0x96: {  	v5 =	vld [tilespmem:s23+$0x2200]  }
0x97: {  	v0 =	vadd.f32 v1, v0;
	v1 =	vld.idx.msk [tilespmem:v6+s14+$0x0], $0xffff  }
0x98: {  	v6 =	vld [tilespmem:s23+$0x2280]  }
0x99: {  	v0 =	vadd.f32 v2, v0;
	v2 =	vld.idx.msk [tilespmem:v7+s14+$0x0], $0xffff  }
0x9a: {  	v7 =	vld [tilespmem:s23+$0x2300]  }
0x9b: {  	v0 =	vadd.f32 v3, v0;
	v3 =	vld.idx.msk [tilespmem:v8+s14+$0x0], $0xffff  }
0x9c: {  	v8 =	vld [tilespmem:s23+$0x2380]  }
0x9d: {  	v0 =	vadd.f32 v1, v0;
	v1 =	vld.idx.msk [tilespmem:v4+s14+$0x0], $0xffff  }
0x9e: {  	v4 =	vld [tilespmem:s23+$0x3000]  }
0x9f: {  	v0 =	vadd.f32 v2, v0;
	v2 =	vld.idx.msk [tilespmem:v5+s14+$0x0], $0xffff  }
0xa0: {  	v5 =	vld [tilespmem:s23+$0x3080]  }
0xa1: {  	v0 =	vadd.f32 v3, v0;
	v3 =	vld.idx.msk [tilespmem:v6+s14+$0x0], $0xffff  }
0xa2: {  	v6 =	vld [tilespmem:s23+$0x3100]  }
0xa3: {  	v0 =	vadd.f32 v1, v0;
	v1 =	vld.idx.msk [tilespmem:v7+s14+$0x0], $0xffff  }
0xa4: {  	v7 =	vld [tilespmem:s23+$0x3180]  }
0xa5: {  	v0 =	vadd.f32 v2, v0;
	v2 =	vld.idx.msk [tilespmem:v8+s14+$0x0], $0xffff  }
0xa6: {  	v8 =	vld [tilespmem:s23+$0x3200]  }
0xa7: {  	v0 =	vadd.f32 v3, v0;
	v3 =	vld.idx.msk [tilespmem:v4+s14+$0x0], $0xffff  }
0xa8: {  	v4 =	vld [tilespmem:s23+$0x3280]  }
0xa9: {  	v0 =	vadd.f32 v1, v0;
	v1 =	vld.idx.msk [tilespmem:v5+s14+$0x0], $0xffff  }
0xaa: {  	v5 =	vld [tilespmem:s23+$0x3300]  }
0xab: {  	v0 =	vadd.f32 v2, v0;
	v2 =	vld.idx.msk [tilespmem:v6+s14+$0x0], $0xffff  }
0xac: {  	v6 =	vld [tilespmem:s23+$0x3380]  }
0xad: {  	v0 =	vadd.f32 v3, v0;
	v3 =	vld.idx.msk [tilespmem:v7+s14+$0x0], $0xffff  }
0xae: {  	v7 =	vld [tilespmem:s23+$0x4000]  }
0xaf: {  	v0 =	vadd.f32 v1, v0;
	v1 =	vld.idx.msk [tilespmem:v8+s14+$0x0], $0xffff  }
0xb0: {  	v8 =	vld [tilespmem:s23+$0x4080]  }
0xb1: {  	v0 =	vadd.f32 v2, v0;
	v2 =	vld.idx.msk [tilespmem:v4+s14+$0x0], $0xffff  }
0xb2: {  	v4 =	vld [tilespmem:s23+$0x4100]  }
0xb3: {  	v0 =	vadd.f32 v3, v0;
	v3 =	vld.idx.msk [tilespmem:v5+s14+$0x0], $0xffff  }
0xb4: {  	v5 =	vld [tilespmem:s23+$0x4180]  }
0xb5: {  	v0 =	vadd.f32 v1, v0;
	v1 =	vld.idx.msk [tilespmem:v6+s14+$0x0], $0xffff  }
0xb6: {  	v6 =	vld [tilespmem:s23+$0x4200]  }
0xb7: {  	v0 =	vadd.f32 v2, v0;
	v2 =	vld.idx.msk [tilespmem:v7+s14+$0x0], $0xffff  }
0xb8: {  	v7 =	vld [tilespmem:s23+$0x4280]  }
0xb9: {  	v0 =	vadd.f32 v3, v0;
	v3 =	vld.idx.msk [tilespmem:v8+s14+$0x0], $0xffff  }
0xba: {  	v8 =	vld [tilespmem:s23+$0x4300]  }
0xbb: {  	v0 =	vadd.f32 v1, v0;
	v1 =	vld.idx.msk [tilespmem:v4+s14+$0x0], $0xffff  }
0xbc: {  	v4 =	vld [tilespmem:s23+$0x4380]  }
0xbd: {  	v0 =	vadd.f32 v2, v0;
	v2 =	vld.idx.msk [tilespmem:v5+s14+$0x0], $0xffff;
	_ =	sdelay $0x1  }
0xbe: {  	v0 =	vadd.f32 v3, v0;
	v3 =	vld.idx.msk [tilespmem:v6+s14+$0x0], $0xffff;
	_ =	sdelay $0x1  }
0xbf: {  	v0 =	vadd.f32 v1, v0;
	v1 =	vld.idx.msk [tilespmem:v7+s14+$0x0], $0xffff;
	_ =	sdelay $0x1  }
0xc0: {  	v0 =	vadd.f32 v2, v0;
	v2 =	vld.idx.msk [tilespmem:v8+s14+$0x0], $0xffff;
	_ =	sdelay $0x1  }
0xc1: {  	v0 =	vadd.f32 v3, v0;
	v3 =	vld.idx.msk [tilespmem:v4+s14+$0x0], $0xffff;
	_ =	sdelay $0x1  }
0xc2: {  	v0 =	vadd.f32 v1, v0  }
.Ltmp0:
0xc3: {  	(pc) =	sbr.rel @p0 .LBB2_2-.Ltmp0, $3  }
0xc4: {  	v0 =	vadd.f32 v2, v0;
	_ =	sdelay $0x1  }
0xc5: {  	s21 =	sadd.s32 $0x80, s21;
	s20 =	sadd.s32 $0x10, s20;
	v0 =	vadd.f32 v3, v0  }
0xc6: {  	s24 =	sand.u32 $0xC00, s21;
	s23 =	sand.u32 $0x70, s22;
	s22 =	sadd.s32 $0x10, s22  }
0xc7: {  	s21 =	sor.u32 s23, s24;
	[tilespmem:s20+$0x0] =	vst v0  }
0xc8: {  	v0 =	vld [tilespmem:s21+$0x0];
	_ =	sdelay $0x1  }
0xc9: {  	v1 =	vld [tilespmem:s21+$0x80];
	_ =	sdelay $0x1  }
0xca: {  	v2 =	vld [tilespmem:s21+$0x100];
	_ =	sdelay $0x1  }
0xcb: {  	v3 =	vld [tilespmem:s21+$0x180]  }
0xcc: {  	v4 =	vld [tilespmem:s21+$0x200]  }
0xcd: {  	v0 =	vld.idx.msk [tilespmem:v0+s14+$0x0], $0xffff  }
0xce: {  	v5 =	vld [tilespmem:s21+$0x280]  }
0xcf: {  	v1 =	vld.idx.msk [tilespmem:v1+s14+$0x0], $0xffff  }
0xd0: {  	v6 =	vld [tilespmem:s21+$0x300]  }
0xd1: {  	v2 =	vld.idx.msk [tilespmem:v2+s14+$0x0], $0xffff  }
0xd2: {  	v7 =	vld [tilespmem:s21+$0x380];
	v0 =	vadd.f32 $0.0e+00, v0  }
0xd3: {  	v3 =	vld.idx.msk [tilespmem:v3+s14+$0x0], $0xffff  }
0xd4: {  	v8 =	vld [tilespmem:s21+$0x1000];
	v0 =	vadd.f32 v1, v0  }
0xd5: {  	v1 =	vld.idx.msk [tilespmem:v4+s14+$0x0], $0xffff  }
0xd6: {  	v49 =	vld [tilespmem:s21+$0x1080];
	v0 =	vadd.f32 v2, v0  }
0xd7: {  	v2 =	vld.idx.msk [tilespmem:v5+s14+$0x0], $0xffff  }
0xd8: {  	v50 =	vld [tilespmem:s21+$0x1100];
	v0 =	vadd.f32 v3, v0  }
0xd9: {  	v3 =	vld.idx.msk [tilespmem:v6+s14+$0x0], $0xffff  }
0xda: {  	v51 =	vld [tilespmem:s21+$0x1180];
	v0 =	vadd.f32 v1, v0  }
0xdb: {  	v1 =	vld.idx.msk [tilespmem:v7+s14+$0x0], $0xffff  }
0xdc: {  	v52 =	vld [tilespmem:s21+$0x1200];
	v0 =	vadd.f32 v2, v0  }
0xdd: {  	v2 =	vld.idx.msk [tilespmem:v8+s14+$0x0], $0xffff  }
0xde: {  	v53 =	vld [tilespmem:s21+$0x1280];
	v0 =	vadd.f32 v3, v0  }
0xdf: {  	v3 =	vld.idx.msk [tilespmem:v49+s14+$0x0], $0xffff  }
0xe0: {  	v54 =	vld [tilespmem:s21+$0x1300];
	v0 =	vadd.f32 v1, v0  }
0xe1: {  	v1 =	vld.idx.msk [tilespmem:v50+s14+$0x0], $0xffff  }
0xe2: {  	v55 =	vld [tilespmem:s21+$0x1380];
	v0 =	vadd.f32 v2, v0  }
0xe3: {  	v2 =	vld.idx.msk [tilespmem:v51+s14+$0x0], $0xffff  }
0xe4: {  	v56 =	vld [tilespmem:s21+$0x2000];
	v0 =	vadd.f32 v3, v0  }
0xe5: {  	v3 =	vld.idx.msk [tilespmem:v52+s14+$0x0], $0xffff  }
0xe6: {  	v57 =	vld [tilespmem:s21+$0x2080];
	v0 =	vadd.f32 v1, v0  }
0xe7: {  	v1 =	vld.idx.msk [tilespmem:v53+s14+$0x0], $0xffff  }
0xe8: {  	v58 =	vld [tilespmem:s21+$0x2100];
	v0 =	vadd.f32 v2, v0  }
0xe9: {  	v2 =	vld.idx.msk [tilespmem:v54+s14+$0x0], $0xffff  }
0xea: {  	v59 =	vld [tilespmem:s21+$0x2180];
	v0 =	vadd.f32 v3, v0  }
0xeb: {  	v3 =	vld.idx.msk [tilespmem:v55+s14+$0x0], $0xffff  }
0xec: {  	v60 =	vld [tilespmem:s21+$0x2200];
	v0 =	vadd.f32 v1, v0  }
0xed: {  	v1 =	vld.idx.msk [tilespmem:v56+s14+$0x0], $0xffff  }
0xee: {  	v61 =	vld [tilespmem:s21+$0x2280];
	v0 =	vadd.f32 v2, v0  }
0xef: {  	v2 =	vld.idx.msk [tilespmem:v57+s14+$0x0], $0xffff  }
0xf0: {  	v62 =	vld [tilespmem:s21+$0x2300];
	v0 =	vadd.f32 v3, v0  }
0xf1: {  	v3 =	vld.idx.msk [tilespmem:v58+s14+$0x0], $0xffff  }
0xf2: {  	v63 =	vld [tilespmem:s21+$0x2380];
	v0 =	vadd.f32 v1, v0  }
0xf3: {  	v1 =	vld.idx.msk [tilespmem:v59+s14+$0x0], $0xffff  }
0xf4: {  	v12 =	vld [tilespmem:s21+$0x3000];
	v0 =	vadd.f32 v2, v0  }
0xf5: {  	v2 =	vld.idx.msk [tilespmem:v60+s14+$0x0], $0xffff  }
0xf6: {  	v13 =	vld [tilespmem:s21+$0x3080];
	v0 =	vadd.f32 v3, v0  }
0xf7: {  	v3 =	vld.idx.msk [tilespmem:v61+s14+$0x0], $0xffff  }
0xf8: {  	v14 =	vld [tilespmem:s21+$0x3100];
	v0 =	vadd.f32 v1, v0  }
0xf9: {  	v1 =	vld.idx.msk [tilespmem:v62+s14+$0x0], $0xffff  }
0xfa: {  	v15 =	vld [tilespmem:s21+$0x3180];
	v0 =	vadd.f32 v2, v0  }
0xfb: {  	v2 =	vld.idx.msk [tilespmem:v63+s14+$0x0], $0xffff  }
0xfc: {  	v16 =	vld [tilespmem:s21+$0x3200];
	v0 =	vadd.f32 v3, v0  }
0xfd: {  	v3 =	vld.idx.msk [tilespmem:v12+s14+$0x0], $0xffff  }
0xfe: {  	v17 =	vld [tilespmem:s21+$0x3280];
	v0 =	vadd.f32 v1, v0  }
0xff: {  	v1 =	vld.idx.msk [tilespmem:v13+s14+$0x0], $0xffff  }
0x100: {  	v18 =	vld [tilespmem:s21+$0x3300];
	v0 =	vadd.f32 v2, v0  }
0x101: {  	v2 =	vld.idx.msk [tilespmem:v14+s14+$0x0], $0xffff  }
0x102: {  	v19 =	vld [tilespmem:s21+$0x3380];
	v0 =	vadd.f32 v3, v0  }
0x103: {  	v3 =	vld.idx.msk [tilespmem:v15+s14+$0x0], $0xffff  }
0x104: {  	v20 =	vld [tilespmem:s21+$0x4000];
	v0 =	vadd.f32 v1, v0  }
0x105: {  	v1 =	vld.idx.msk [tilespmem:v16+s14+$0x0], $0xffff  }
0x106: {  	v21 =	vld [tilespmem:s21+$0x4080];
	v0 =	vadd.f32 v2, v0  }
0x107: {  	v2 =	vld.idx.msk [tilespmem:v17+s14+$0x0], $0xffff  }
0x108: {  	v22 =	vld [tilespmem:s21+$0x4100];
	v0 =	vadd.f32 v3, v0  }
0x109: {  	v3 =	vld.idx.msk [tilespmem:v18+s14+$0x0], $0xffff  }
0x10a: {  	v23 =	vld [tilespmem:s21+$0x4180];
	v0 =	vadd.f32 v1, v0  }
0x10b: {  	v1 =	vld.idx.msk [tilespmem:v19+s14+$0x0], $0xffff  }
0x10c: {  	v24 =	vld [tilespmem:s21+$0x4200];
	v0 =	vadd.f32 v2, v0  }
0x10d: {  	v2 =	vld.idx.msk [tilespmem:v20+s14+$0x0], $0xffff  }
0x10e: {  	v25 =	vld [tilespmem:s21+$0x4280];
	v0 =	vadd.f32 v3, v0  }
0x10f: {  	v3 =	vld.idx.msk [tilespmem:v21+s14+$0x0], $0xffff  }
0x110: {  	v26 =	vld [tilespmem:s21+$0x4300];
	v0 =	vadd.f32 v1, v0  }
0x111: {  	v1 =	vld.idx.msk [tilespmem:v22+s14+$0x0], $0xffff  }
0x112: {  	v27 =	vld [tilespmem:s21+$0x4380];
	v0 =	vadd.f32 v2, v0  }
0x113: {  	v2 =	vld.idx.msk [tilespmem:v23+s14+$0x0], $0xffff  }
0x114: {  	v0 =	vadd.f32 v3, v0  }
0x115: {  	v3 =	vld.idx.msk [tilespmem:v24+s14+$0x0], $0xffff  }
0x116: {  	v0 =	vadd.f32 v1, v0  }
0x117: {  	v1 =	vld.idx.msk [tilespmem:v25+s14+$0x0], $0xffff  }
0x118: {  	v0 =	vadd.f32 v2, v0  }
0x119: {  	v2 =	vld.idx.msk [tilespmem:v26+s14+$0x0], $0xffff  }
0x11a: {  	v0 =	vadd.f32 v3, v0  }
0x11b: {  	v3 =	vld.idx.msk [tilespmem:v27+s14+$0x0], $0xffff  }
0x11c: {  	v0 =	vadd.f32 v1, v0;
	_ =	sdelay $0x1  }
0x11d: {  	v0 =	vadd.f32 v2, v0;
	_ =	sdelay $0x1  }
0x11e: {  	v0 =	vadd.f32 v3, v0  }
0x11f: {  	s29 =	sadd.s32 $0x10, s20  }
0x120: {  	s30 =	simm.s32 $0x0;
	[tilespmem:s29+$0x0] =	vst v0  }
0x121: {  	[tilespmem:s30], [sflag:$0x1] =	stream.strided.gather [hbm4b:s6+s11], $0x5000, s12, s11, $0x38;
	[tilespmem:$0xA600] =	vst v63  }
0x122: {  	_ =	swait.ge [sflag:s17], $0x5000  }
0x123: {  	s31 =	sand.u32 $0x70, s30;
	s20 =	sand.u32 $0xC00, s30;
	[sflag:s17] =	ssyncset.done $0x0  }
0x124: {  	s20 =	sor.u32 s31, s20;
	[sflag:s17] =	ssyncadd.s32 $0xFFFFB000  }
0x125: {  	v0 =	vld [tilespmem:s20+$0x5000];
	_ =	sdelay $0x1  }
0x126: {  	v1 =	vld [tilespmem:s20+$0x5080];
	_ =	sdelay $0x1  }
0x127: {  	v2 =	vld [tilespmem:s20+$0x5100];
	_ =	sdelay $0x1  }
0x128: {  	v3 =	vld [tilespmem:s20+$0x5180]  }
0x129: {  	v28 =	vld [tilespmem:s20+$0x5200]  }
0x12a: {  	v0 =	vld.idx.msk [tilespmem:v0+s14+$0x0], $0xffff  }
0x12b: {  	v29 =	vld [tilespmem:s20+$0x5280]  }
0x12c: {  	v1 =	vld.idx.msk [tilespmem:v1+s14+$0x0], $0xffff  }
0x12d: {  	v30 =	vld [tilespmem:s20+$0x5300]  }
0x12e: {  	v2 =	vld.idx.msk [tilespmem:v2+s14+$0x0], $0xffff  }
0x12f: {  	v31 =	vld [tilespmem:s20+$0x5380];
	v0 =	vadd.f32 $0.0e+00, v0  }
0x130: {  	v3 =	vld.idx.msk [tilespmem:v3+s14+$0x0], $0xffff  }
0x131: {  	v32 =	vld [tilespmem:s20+$0x6000];
	v0 =	vadd.f32 v1, v0  }
0x132: {  	v1 =	vld.idx.msk [tilespmem:v28+s14+$0x0], $0xffff  }
0x133: {  	v33 =	vld [tilespmem:s20+$0x6080];
	v0 =	vadd.f32 v2, v0  }
0x134: {  	v2 =	vld.idx.msk [tilespmem:v29+s14+$0x0], $0xffff  }
0x135: {  	v34 =	vld [tilespmem:s20+$0x6100];
	v0 =	vadd.f32 v3, v0  }
0x136: {  	v3 =	vld.idx.msk [tilespmem:v30+s14+$0x0], $0xffff  }
0x137: {  	v35 =	vld [tilespmem:s20+$0x6180];
	v0 =	vadd.f32 v1, v0  }
0x138: {  	v1 =	vld.idx.msk [tilespmem:v31+s14+$0x0], $0xffff  }
0x139: {  	v36 =	vld [tilespmem:s20+$0x6200];
	v0 =	vadd.f32 v2, v0  }
0x13a: {  	v2 =	vld.idx.msk [tilespmem:v32+s14+$0x0], $0xffff  }
0x13b: {  	v37 =	vld [tilespmem:s20+$0x6280];
	v0 =	vadd.f32 v3, v0  }
0x13c: {  	v3 =	vld.idx.msk [tilespmem:v33+s14+$0x0], $0xffff  }
0x13d: {  	v38 =	vld [tilespmem:s20+$0x6300];
	v0 =	vadd.f32 v1, v0  }
0x13e: {  	v1 =	vld.idx.msk [tilespmem:v34+s14+$0x0], $0xffff  }
0x13f: {  	v39 =	vld [tilespmem:s20+$0x6380];
	v0 =	vadd.f32 v2, v0  }
0x140: {  	v2 =	vld.idx.msk [tilespmem:v35+s14+$0x0], $0xffff  }
0x141: {  	v40 =	vld [tilespmem:s20+$0x7000];
	v0 =	vadd.f32 v3, v0  }
0x142: {  	v3 =	vld.idx.msk [tilespmem:v36+s14+$0x0], $0xffff  }
0x143: {  	v41 =	vld [tilespmem:s20+$0x7080];
	v0 =	vadd.f32 v1, v0  }
0x144: {  	v1 =	vld.idx.msk [tilespmem:v37+s14+$0x0], $0xffff  }
0x145: {  	v42 =	vld [tilespmem:s20+$0x7100];
	v0 =	vadd.f32 v2, v0  }
0x146: {  	v2 =	vld.idx.msk [tilespmem:v38+s14+$0x0], $0xffff  }
0x147: {  	v43 =	vld [tilespmem:s20+$0x7180];
	v0 =	vadd.f32 v3, v0  }
0x148: {  	v3 =	vld.idx.msk [tilespmem:v39+s14+$0x0], $0xffff  }
0x149: {  	v44 =	vld [tilespmem:s20+$0x7200];
	v0 =	vadd.f32 v1, v0  }
0x14a: {  	v1 =	vld.idx.msk [tilespmem:v40+s14+$0x0], $0xffff  }
0x14b: {  	v45 =	vld [tilespmem:s20+$0x7280];
	v0 =	vadd.f32 v2, v0  }
0x14c: {  	v2 =	vld.idx.msk [tilespmem:v41+s14+$0x0], $0xffff  }
0x14d: {  	v46 =	vld [tilespmem:s20+$0x7300];
	v0 =	vadd.f32 v3, v0  }
0x14e: {  	v3 =	vld.idx.msk [tilespmem:v42+s14+$0x0], $0xffff  }
0x14f: {  	v47 =	vld [tilespmem:s20+$0x7380];
	v0 =	vadd.f32 v1, v0  }
0x150: {  	v1 =	vld.idx.msk [tilespmem:v43+s14+$0x0], $0xffff  }
0x151: {  	v48 =	vld [tilespmem:s20+$0x8000];
	v0 =	vadd.f32 v2, v0  }
0x152: {  	v2 =	vld.idx.msk [tilespmem:v44+s14+$0x0], $0xffff  }
0x153: {  	v49 =	vld [tilespmem:s20+$0x8080];
	v0 =	vadd.f32 v3, v0  }
0x154: {  	v3 =	vld.idx.msk [tilespmem:v45+s14+$0x0], $0xffff  }
0x155: {  	v50 =	vld [tilespmem:s20+$0x8100];
	v0 =	vadd.f32 v1, v0  }
0x156: {  	v1 =	vld.idx.msk [tilespmem:v46+s14+$0x0], $0xffff  }
0x157: {  	v51 =	vld [tilespmem:s20+$0x8180];
	v0 =	vadd.f32 v2, v0  }
0x158: {  	v2 =	vld.idx.msk [tilespmem:v47+s14+$0x0], $0xffff  }
0x159: {  	v52 =	vld [tilespmem:s20+$0x8200];
	v0 =	vadd.f32 v3, v0  }
0x15a: {  	v3 =	vld.idx.msk [tilespmem:v48+s14+$0x0], $0xffff  }
0x15b: {  	v53 =	vld [tilespmem:s20+$0x8280];
	v0 =	vadd.f32 v1, v0  }
0x15c: {  	v1 =	vld.idx.msk [tilespmem:v49+s14+$0x0], $0xffff  }
0x15d: {  	v54 =	vld [tilespmem:s20+$0x8300];
	v0 =	vadd.f32 v2, v0  }
0x15e: {  	v2 =	vld.idx.msk [tilespmem:v50+s14+$0x0], $0xffff  }
0x15f: {  	v55 =	vld [tilespmem:s20+$0x8380];
	v0 =	vadd.f32 v3, v0  }
0x160: {  	v3 =	vld.idx.msk [tilespmem:v51+s14+$0x0], $0xffff  }
0x161: {  	v56 =	vld [tilespmem:s20+$0x9000];
	v0 =	vadd.f32 v1, v0  }
0x162: {  	v1 =	vld.idx.msk [tilespmem:v52+s14+$0x0], $0xffff  }
0x163: {  	v57 =	vld [tilespmem:s20+$0x9080];
	v0 =	vadd.f32 v2, v0  }
0x164: {  	v2 =	vld.idx.msk [tilespmem:v53+s14+$0x0], $0xffff  }
0x165: {  	v58 =	vld [tilespmem:s20+$0x9100];
	v0 =	vadd.f32 v3, v0  }
0x166: {  	v3 =	vld.idx.msk [tilespmem:v54+s14+$0x0], $0xffff  }
0x167: {  	v59 =	vld [tilespmem:s20+$0x9180];
	v0 =	vadd.f32 v1, v0  }
0x168: {  	v1 =	vld.idx.msk [tilespmem:v55+s14+$0x0], $0xffff  }
0x169: {  	v60 =	vld [tilespmem:s20+$0x9200];
	v0 =	vadd.f32 v2, v0  }
0x16a: {  	v2 =	vld.idx.msk [tilespmem:v56+s14+$0x0], $0xffff  }
0x16b: {  	v61 =	vld [tilespmem:s20+$0x9280];
	v0 =	vadd.f32 v3, v0  }
0x16c: {  	v3 =	vld.idx.msk [tilespmem:v57+s14+$0x0], $0xffff  }
0x16d: {  	v62 =	vld [tilespmem:s20+$0x9300];
	v0 =	vadd.f32 v1, v0  }
0x16e: {  	v1 =	vld.idx.msk [tilespmem:v58+s14+$0x0], $0xffff  }
0x16f: {  	v63 =	vld [tilespmem:s20+$0x9380];
	v0 =	vadd.f32 v2, v0  }
0x170: {  	v2 =	vld.idx.msk [tilespmem:v59+s14+$0x0], $0xffff  }
0x171: {  	v0 =	vadd.f32 v3, v0  }
0x172: {  	v3 =	vld.idx.msk [tilespmem:v60+s14+$0x0], $0xffff  }
0x173: {  	v0 =	vadd.f32 v1, v0  }
0x174: {  	v1 =	vld.idx.msk [tilespmem:v61+s14+$0x0], $0xffff  }
0x175: {  	v0 =	vadd.f32 v2, v0  }
0x176: {  	v2 =	vld.idx.msk [tilespmem:v62+s14+$0x0], $0xffff  }
0x177: {  	v0 =	vadd.f32 v3, v0  }
0x178: {  	v3 =	vld.idx.msk [tilespmem:v63+s14+$0x0], $0xffff  }
0x179: {  	s20 =	simm.s32 $0xA400;
	v0 =	vadd.f32 v1, v0  }
0x17a: {  	v1 =	vld [tilespmem:s20+$0x0]  }
0x17b: {  	v0 =	vadd.f32 v2, v0;
	_ =	sdelay $0x1  }
0x17c: {  	v0 =	vadd.f32 v3, v0;
	_ =	sdelay $0x1  }
0x17d: {  	s22 =	simm.s32 $0x10;
	s21 =	simm.s32 $0x80;
	v0 =	vadd.f32 v1, v0  }
0x17e: {  	s23 =	sand.u32 $0x70, s22;
	s22 =	simm.s32 $0x20;
	s24 =	sand.u32 $0xC00, s21  }
.LBB2_4:
0x17f: {  	p0 =	sne.s32 s22, $0x1F0;
	s23 =	sor.u32 s23, s24;
	[tilespmem:s20+$0x0] =	vst v0  }
0x180: {  	v0 =	vld [tilespmem:s23+$0x5000];
	_ =	sdelay $0x1  }
0x181: {  	v1 =	vld [tilespmem:s23+$0x5080];
	_ =	sdelay $0x1  }
0x182: {  	v2 =	vld [tilespmem:s23+$0x5100];
	_ =	sdelay $0x1  }
0x183: {  	v3 =	vld [tilespmem:s23+$0x5180]  }
0x184: {  	v4 =	vld [tilespmem:s23+$0x5200]  }
0x185: {  	v0 =	vld.idx.msk [tilespmem:v0+s14+$0x0], $0xffff  }
0x186: {  	v5 =	vld [tilespmem:s23+$0x5280]  }
0x187: {  	v1 =	vld.idx.msk [tilespmem:v1+s14+$0x0], $0xffff  }
0x188: {  	v6 =	vld [tilespmem:s23+$0x5300]  }
0x189: {  	v2 =	vld.idx.msk [tilespmem:v2+s14+$0x0], $0xffff  }
0x18a: {  	v7 =	vld [tilespmem:s23+$0x5380]  }
0x18b: {  	v0 =	vadd.f32 $0.0e+00, v0;
	v3 =	vld.idx.msk [tilespmem:v3+s14+$0x0], $0xffff  }
0x18c: {  	v8 =	vld [tilespmem:s23+$0x6000]  }
0x18d: {  	v0 =	vadd.f32 v1, v0;
	v1 =	vld.idx.msk [tilespmem:v4+s14+$0x0], $0xffff  }
0x18e: {  	v4 =	vld [tilespmem:s23+$0x6080]  }
0x18f: {  	v0 =	vadd.f32 v2, v0;
	v2 =	vld.idx.msk [tilespmem:v5+s14+$0x0], $0xffff  }
0x190: {  	v5 =	vld [tilespmem:s23+$0x6100]  }
0x191: {  	v0 =	vadd.f32 v3, v0;
	v3 =	vld.idx.msk [tilespmem:v6+s14+$0x0], $0xffff  }
0x192: {  	v6 =	vld [tilespmem:s23+$0x6180]  }
0x193: {  	v0 =	vadd.f32 v1, v0;
	v1 =	vld.idx.msk [tilespmem:v7+s14+$0x0], $0xffff  }
0x194: {  	v7 =	vld [tilespmem:s23+$0x6200]  }
0x195: {  	v0 =	vadd.f32 v2, v0;
	v2 =	vld.idx.msk [tilespmem:v8+s14+$0x0], $0xffff  }
0x196: {  	v8 =	vld [tilespmem:s23+$0x6280]  }
0x197: {  	v0 =	vadd.f32 v3, v0;
	v3 =	vld.idx.msk [tilespmem:v4+s14+$0x0], $0xffff  }
0x198: {  	v4 =	vld [tilespmem:s23+$0x6300]  }
0x199: {  	v0 =	vadd.f32 v1, v0;
	v1 =	vld.idx.msk [tilespmem:v5+s14+$0x0], $0xffff  }
0x19a: {  	v5 =	vld [tilespmem:s23+$0x6380]  }
0x19b: {  	v0 =	vadd.f32 v2, v0;
	v2 =	vld.idx.msk [tilespmem:v6+s14+$0x0], $0xffff  }
0x19c: {  	v6 =	vld [tilespmem:s23+$0x7000]  }
0x19d: {  	v0 =	vadd.f32 v3, v0;
	v3 =	vld.idx.msk [tilespmem:v7+s14+$0x0], $0xffff  }
0x19e: {  	v7 =	vld [tilespmem:s23+$0x7080]  }
0x19f: {  	v0 =	vadd.f32 v1, v0;
	v1 =	vld.idx.msk [tilespmem:v8+s14+$0x0], $0xffff  }
0x1a0: {  	v8 =	vld [tilespmem:s23+$0x7100]  }
0x1a1: {  	v0 =	vadd.f32 v2, v0;
	v2 =	vld.idx.msk [tilespmem:v4+s14+$0x0], $0xffff  }
0x1a2: {  	v4 =	vld [tilespmem:s23+$0x7180]  }
0x1a3: {  	v0 =	vadd.f32 v3, v0;
	v3 =	vld.idx.msk [tilespmem:v5+s14+$0x0], $0xffff  }
0x1a4: {  	v5 =	vld [tilespmem:s23+$0x7200]  }
0x1a5: {  	v0 =	vadd.f32 v1, v0;
	v1 =	vld.idx.msk [tilespmem:v6+s14+$0x0], $0xffff  }
0x1a6: {  	v6 =	vld [tilespmem:s23+$0x7280]  }
0x1a7: {  	v0 =	vadd.f32 v2, v0;
	v2 =	vld.idx.msk [tilespmem:v7+s14+$0x0], $0xffff  }
0x1a8: {  	v7 =	vld [tilespmem:s23+$0x7300]  }
0x1a9: {  	v0 =	vadd.f32 v3, v0;
	v3 =	vld.idx.msk [tilespmem:v8+s14+$0x0], $0xffff  }
0x1aa: {  	v8 =	vld [tilespmem:s23+$0x7380]  }
0x1ab: {  	v0 =	vadd.f32 v1, v0;
	v1 =	vld.idx.msk [tilespmem:v4+s14+$0x0], $0xffff  }
0x1ac: {  	v4 =	vld [tilespmem:s23+$0x8000]  }
0x1ad: {  	v0 =	vadd.f32 v2, v0;
	v2 =	vld.idx.msk [tilespmem:v5+s14+$0x0], $0xffff  }
0x1ae: {  	v5 =	vld [tilespmem:s23+$0x8080]  }
0x1af: {  	v0 =	vadd.f32 v3, v0;
	v3 =	vld.idx.msk [tilespmem:v6+s14+$0x0], $0xffff  }
0x1b0: {  	v6 =	vld [tilespmem:s23+$0x8100]  }
0x1b1: {  	v0 =	vadd.f32 v1, v0;
	v1 =	vld.idx.msk [tilespmem:v7+s14+$0x0], $0xffff  }
0x1b2: {  	v7 =	vld [tilespmem:s23+$0x8180]  }
0x1b3: {  	v0 =	vadd.f32 v2, v0;
	v2 =	vld.idx.msk [tilespmem:v8+s14+$0x0], $0xffff  }
0x1b4: {  	v8 =	vld [tilespmem:s23+$0x8200]  }
0x1b5: {  	v0 =	vadd.f32 v3, v0;
	v3 =	vld.idx.msk [tilespmem:v4+s14+$0x0], $0xffff  }
0x1b6: {  	v4 =	vld [tilespmem:s23+$0x8280]  }
0x1b7: {  	v0 =	vadd.f32 v1, v0;
	v1 =	vld.idx.msk [tilespmem:v5+s14+$0x0], $0xffff  }
0x1b8: {  	v5 =	vld [tilespmem:s23+$0x8300]  }
0x1b9: {  	v0 =	vadd.f32 v2, v0;
	v2 =	vld.idx.msk [tilespmem:v6+s14+$0x0], $0xffff  }
0x1ba: {  	v6 =	vld [tilespmem:s23+$0x8380]  }
0x1bb: {  	v0 =	vadd.f32 v3, v0;
	v3 =	vld.idx.msk [tilespmem:v7+s14+$0x0], $0xffff  }
0x1bc: {  	v7 =	vld [tilespmem:s23+$0x9000]  }
0x1bd: {  	v0 =	vadd.f32 v1, v0;
	v1 =	vld.idx.msk [tilespmem:v8+s14+$0x0], $0xffff  }
0x1be: {  	v8 =	vld [tilespmem:s23+$0x9080]  }
0x1bf: {  	v0 =	vadd.f32 v2, v0;
	v2 =	vld.idx.msk [tilespmem:v4+s14+$0x0], $0xffff  }
0x1c0: {  	v4 =	vld [tilespmem:s23+$0x9100]  }
0x1c1: {  	v0 =	vadd.f32 v3, v0;
	v3 =	vld.idx.msk [tilespmem:v5+s14+$0x0], $0xffff  }
0x1c2: {  	v5 =	vld [tilespmem:s23+$0x9180]  }
0x1c3: {  	v0 =	vadd.f32 v1, v0;
	v1 =	vld.idx.msk [tilespmem:v6+s14+$0x0], $0xffff  }
0x1c4: {  	v6 =	vld [tilespmem:s23+$0x9200]  }
0x1c5: {  	v0 =	vadd.f32 v2, v0;
	v2 =	vld.idx.msk [tilespmem:v7+s14+$0x0], $0xffff  }
0x1c6: {  	v7 =	vld [tilespmem:s23+$0x9280]  }
0x1c7: {  	v0 =	vadd.f32 v3, v0;
	v3 =	vld.idx.msk [tilespmem:v8+s14+$0x0], $0xffff  }
0x1c8: {  	v8 =	vld [tilespmem:s23+$0x9300]  }
0x1c9: {  	v0 =	vadd.f32 v1, v0;
	v1 =	vld.idx.msk [tilespmem:v4+s14+$0x0], $0xffff  }
0x1ca: {  	v4 =	vld [tilespmem:s23+$0x9380]  }
0x1cb: {  	v0 =	vadd.f32 v2, v0;
	v2 =	vld.idx.msk [tilespmem:v5+s14+$0x0], $0xffff;
	_ =	sdelay $0x1  }
0x1cc: {  	v0 =	vadd.f32 v3, v0;
	v3 =	vld.idx.msk [tilespmem:v6+s14+$0x0], $0xffff;
	_ =	sdelay $0x1  }
0x1cd: {  	v0 =	vadd.f32 v1, v0;
	v1 =	vld.idx.msk [tilespmem:v7+s14+$0x0], $0xffff;
	_ =	sdelay $0x1  }
0x1ce: {  	v0 =	vadd.f32 v2, v0;
	v2 =	vld.idx.msk [tilespmem:v8+s14+$0x0], $0xffff;
	_ =	sdelay $0x1  }
0x1cf: {  	v0 =	vadd.f32 v3, v0;
	v3 =	vld.idx.msk [tilespmem:v4+s14+$0x0], $0xffff;
	_ =	sdelay $0x1  }
0x1d0: {  	s20 =	sadd.s32 $0x10, s20;
	v0 =	vadd.f32 v1, v0  }
0x1d1: {  	v1 =	vld [tilespmem:s20+$0x0]  }
0x1d2: {  	v0 =	vadd.f32 v2, v0  }
.Ltmp1:
0x1d3: {  	(pc) =	sbr.rel @p0 .LBB2_4-.Ltmp1, $3  }
0x1d4: {  	v0 =	vadd.f32 v3, v0;
	_ =	sdelay $0x1  }
0x1d5: {  	s21 =	sadd.s32 $0x80, s21;
	v0 =	vadd.f32 v1, v0  }
0x1d6: {  	s24 =	sand.u32 $0xC00, s21;
	s23 =	sand.u32 $0x70, s22;
	s22 =	sadd.s32 $0x10, s22  }
0x1d7: {  	s21 =	sor.u32 s23, s24;
	[tilespmem:s20+$0x0] =	vst v0  }
0x1d8: {  	v0 =	vld [tilespmem:s21+$0x5000];
	_ =	sdelay $0x1  }
0x1d9: {  	v1 =	vld [tilespmem:s21+$0x5080];
	_ =	sdelay $0x1  }
0x1da: {  	v2 =	vld [tilespmem:s21+$0x5100];
	_ =	sdelay $0x1  }
0x1db: {  	v3 =	vld [tilespmem:s21+$0x5180]  }
0x1dc: {  	v4 =	vld [tilespmem:s21+$0x5200]  }
0x1dd: {  	v0 =	vld.idx.msk [tilespmem:v0+s14+$0x0], $0xffff  }
0x1de: {  	v5 =	vld [tilespmem:s21+$0x5280]  }
0x1df: {  	v1 =	vld.idx.msk [tilespmem:v1+s14+$0x0], $0xffff  }
0x1e0: {  	v6 =	vld [tilespmem:s21+$0x5300]  }
0x1e1: {  	v2 =	vld.idx.msk [tilespmem:v2+s14+$0x0], $0xffff  }
0x1e2: {  	v7 =	vld [tilespmem:s21+$0x5380];
	v0 =	vadd.f32 $0.0e+00, v0  }
0x1e3: {  	v3 =	vld.idx.msk [tilespmem:v3+s14+$0x0], $0xffff  }
0x1e4: {  	v8 =	vld [tilespmem:s21+$0x6000];
	v0 =	vadd.f32 v1, v0  }
0x1e5: {  	v1 =	vld.idx.msk [tilespmem:v4+s14+$0x0], $0xffff  }
0x1e6: {  	v49 =	vld [tilespmem:s21+$0x6080];
	v0 =	vadd.f32 v2, v0  }
0x1e7: {  	v2 =	vld.idx.msk [tilespmem:v5+s14+$0x0], $0xffff  }
0x1e8: {  	v50 =	vld [tilespmem:s21+$0x6100];
	v0 =	vadd.f32 v3, v0  }
0x1e9: {  	v3 =	vld.idx.msk [tilespmem:v6+s14+$0x0], $0xffff  }
0x1ea: {  	v51 =	vld [tilespmem:s21+$0x6180];
	v0 =	vadd.f32 v1, v0  }
0x1eb: {  	v1 =	vld.idx.msk [tilespmem:v7+s14+$0x0], $0xffff  }
0x1ec: {  	v52 =	vld [tilespmem:s21+$0x6200];
	v0 =	vadd.f32 v2, v0  }
0x1ed: {  	v2 =	vld.idx.msk [tilespmem:v8+s14+$0x0], $0xffff  }
0x1ee: {  	v53 =	vld [tilespmem:s21+$0x6280];
	v0 =	vadd.f32 v3, v0  }
0x1ef: {  	v3 =	vld.idx.msk [tilespmem:v49+s14+$0x0], $0xffff  }
0x1f0: {  	v54 =	vld [tilespmem:s21+$0x6300];
	v0 =	vadd.f32 v1, v0  }
0x1f1: {  	v1 =	vld.idx.msk [tilespmem:v50+s14+$0x0], $0xffff  }
0x1f2: {  	v55 =	vld [tilespmem:s21+$0x6380];
	v0 =	vadd.f32 v2, v0  }
0x1f3: {  	v2 =	vld.idx.msk [tilespmem:v51+s14+$0x0], $0xffff  }
0x1f4: {  	v56 =	vld [tilespmem:s21+$0x7000];
	v0 =	vadd.f32 v3, v0  }
0x1f5: {  	v3 =	vld.idx.msk [tilespmem:v52+s14+$0x0], $0xffff  }
0x1f6: {  	v57 =	vld [tilespmem:s21+$0x7080];
	v0 =	vadd.f32 v1, v0  }
0x1f7: {  	v1 =	vld.idx.msk [tilespmem:v53+s14+$0x0], $0xffff  }
0x1f8: {  	v58 =	vld [tilespmem:s21+$0x7100];
	v0 =	vadd.f32 v2, v0  }
0x1f9: {  	v2 =	vld.idx.msk [tilespmem:v54+s14+$0x0], $0xffff  }
0x1fa: {  	v59 =	vld [tilespmem:s21+$0x7180];
	v0 =	vadd.f32 v3, v0  }
0x1fb: {  	v3 =	vld.idx.msk [tilespmem:v55+s14+$0x0], $0xffff  }
0x1fc: {  	v60 =	vld [tilespmem:s21+$0x7200];
	v0 =	vadd.f32 v1, v0  }
0x1fd: {  	v1 =	vld.idx.msk [tilespmem:v56+s14+$0x0], $0xffff  }
0x1fe: {  	v61 =	vld [tilespmem:s21+$0x7280];
	v0 =	vadd.f32 v2, v0  }
0x1ff: {  	v2 =	vld.idx.msk [tilespmem:v57+s14+$0x0], $0xffff  }
0x200: {  	v62 =	vld [tilespmem:s21+$0x7300];
	v0 =	vadd.f32 v3, v0  }
0x201: {  	v3 =	vld.idx.msk [tilespmem:v58+s14+$0x0], $0xffff  }
0x202: {  	v63 =	vld [tilespmem:s21+$0x7380];
	v0 =	vadd.f32 v1, v0  }
0x203: {  	v1 =	vld.idx.msk [tilespmem:v59+s14+$0x0], $0xffff  }
0x204: {  	v12 =	vld [tilespmem:s21+$0x8000];
	v0 =	vadd.f32 v2, v0  }
0x205: {  	v2 =	vld.idx.msk [tilespmem:v60+s14+$0x0], $0xffff  }
0x206: {  	v13 =	vld [tilespmem:s21+$0x8080];
	v0 =	vadd.f32 v3, v0  }
0x207: {  	v3 =	vld.idx.msk [tilespmem:v61+s14+$0x0], $0xffff  }
0x208: {  	v14 =	vld [tilespmem:s21+$0x8100];
	v0 =	vadd.f32 v1, v0  }
0x209: {  	v1 =	vld.idx.msk [tilespmem:v62+s14+$0x0], $0xffff  }
0x20a: {  	v15 =	vld [tilespmem:s21+$0x8180];
	v0 =	vadd.f32 v2, v0  }
0x20b: {  	v2 =	vld.idx.msk [tilespmem:v63+s14+$0x0], $0xffff  }
0x20c: {  	v16 =	vld [tilespmem:s21+$0x8200];
	v0 =	vadd.f32 v3, v0  }
0x20d: {  	v3 =	vld.idx.msk [tilespmem:v12+s14+$0x0], $0xffff  }
0x20e: {  	v17 =	vld [tilespmem:s21+$0x8280];
	v0 =	vadd.f32 v1, v0  }
0x20f: {  	v1 =	vld.idx.msk [tilespmem:v13+s14+$0x0], $0xffff  }
0x210: {  	v18 =	vld [tilespmem:s21+$0x8300];
	v0 =	vadd.f32 v2, v0  }
0x211: {  	v2 =	vld.idx.msk [tilespmem:v14+s14+$0x0], $0xffff  }
0x212: {  	v19 =	vld [tilespmem:s21+$0x8380];
	v0 =	vadd.f32 v3, v0  }
0x213: {  	v3 =	vld.idx.msk [tilespmem:v15+s14+$0x0], $0xffff  }
0x214: {  	v20 =	vld [tilespmem:s21+$0x9000];
	v0 =	vadd.f32 v1, v0  }
0x215: {  	v1 =	vld.idx.msk [tilespmem:v16+s14+$0x0], $0xffff  }
0x216: {  	v21 =	vld [tilespmem:s21+$0x9080];
	v0 =	vadd.f32 v2, v0  }
0x217: {  	v2 =	vld.idx.msk [tilespmem:v17+s14+$0x0], $0xffff  }
0x218: {  	v22 =	vld [tilespmem:s21+$0x9100];
	v0 =	vadd.f32 v3, v0  }
0x219: {  	v3 =	vld.idx.msk [tilespmem:v18+s14+$0x0], $0xffff  }
0x21a: {  	v23 =	vld [tilespmem:s21+$0x9180];
	v0 =	vadd.f32 v1, v0  }
0x21b: {  	v1 =	vld.idx.msk [tilespmem:v19+s14+$0x0], $0xffff  }
0x21c: {  	v24 =	vld [tilespmem:s21+$0x9200];
	v0 =	vadd.f32 v2, v0  }
0x21d: {  	v2 =	vld.idx.msk [tilespmem:v20+s14+$0x0], $0xffff  }
0x21e: {  	v25 =	vld [tilespmem:s21+$0x9280];
	v0 =	vadd.f32 v3, v0  }
0x21f: {  	v3 =	vld.idx.msk [tilespmem:v21+s14+$0x0], $0xffff  }
0x220: {  	v26 =	vld [tilespmem:s21+$0x9300];
	v0 =	vadd.f32 v1, v0  }
0x221: {  	v1 =	vld.idx.msk [tilespmem:v22+s14+$0x0], $0xffff  }
0x222: {  	v27 =	vld [tilespmem:s21+$0x9380];
	v0 =	vadd.f32 v2, v0  }
0x223: {  	v2 =	vld.idx.msk [tilespmem:v23+s14+$0x0], $0xffff  }
0x224: {  	v0 =	vadd.f32 v3, v0  }
0x225: {  	v3 =	vld.idx.msk [tilespmem:v24+s14+$0x0], $0xffff  }
0x226: {  	v0 =	vadd.f32 v1, v0  }
0x227: {  	v1 =	vld.idx.msk [tilespmem:v25+s14+$0x0], $0xffff  }
0x228: {  	v0 =	vadd.f32 v2, v0  }
0x229: {  	v2 =	vld.idx.msk [tilespmem:v26+s14+$0x0], $0xffff  }
0x22a: {  	v0 =	vadd.f32 v3, v0  }
0x22b: {  	v3 =	vld.idx.msk [tilespmem:v27+s14+$0x0], $0xffff  }
0x22c: {  	s29 =	sadd.s32 $0x10, s20;
	v0 =	vadd.f32 v1, v0  }
0x22d: {  	v1 =	vld [tilespmem:s29+$0x0]  }
0x22e: {  	v0 =	vadd.f32 v2, v0;
	_ =	sdelay $0x1  }
0x22f: {  	v0 =	vadd.f32 v3, v0;
	_ =	sdelay $0x1  }
0x230: {  	v0 =	vadd.f32 v1, v0;
	_ =	sdelay $0x1  }
0x231: {  	[tilespmem:s29+$0x0] =	vst v0  }
0x232: {  	[tilespmem:s13], [sflag:$0x2] =	stream.strided.gather [hbm4b:s7+s11], $0x5000, s12, s11, $0x38;
	[tilespmem:$0xA600] =	vst v63  }
0x233: {  	s30 =	simm.s32 $0x0;
	_ =	swait.ge [sflag:s16], $0x5000  }
0x234: {  	s31 =	sand.u32 $0x70, s30;
	s20 =	sand.u32 $0xC00, s30;
	[sflag:s16] =	ssyncset.done $0x0  }
0x235: {  	s20 =	sor.u32 s31, s20;
	[sflag:s16] =	ssyncadd.s32 $0xFFFFB000  }
0x236: {  	v0 =	vld [tilespmem:s20+$0x0];
	_ =	sdelay $0x1  }
0x237: {  	v1 =	vld [tilespmem:s20+$0x80];
	_ =	sdelay $0x1  }
0x238: {  	v2 =	vld [tilespmem:s20+$0x100];
	_ =	sdelay $0x1  }
0x239: {  	v3 =	vld [tilespmem:s20+$0x180]  }
0x23a: {  	v28 =	vld [tilespmem:s20+$0x200]  }
0x23b: {  	v0 =	vld.idx.msk [tilespmem:v0+s14+$0x0], $0xffff  }
0x23c: {  	v29 =	vld [tilespmem:s20+$0x280]  }
0x23d: {  	v1 =	vld.idx.msk [tilespmem:v1+s14+$0x0], $0xffff  }
0x23e: {  	v30 =	vld [tilespmem:s20+$0x300]  }
0x23f: {  	v2 =	vld.idx.msk [tilespmem:v2+s14+$0x0], $0xffff  }
0x240: {  	v31 =	vld [tilespmem:s20+$0x380];
	v0 =	vadd.f32 $0.0e+00, v0  }
0x241: {  	v3 =	vld.idx.msk [tilespmem:v3+s14+$0x0], $0xffff  }
0x242: {  	v32 =	vld [tilespmem:s20+$0x1000];
	v0 =	vadd.f32 v1, v0  }
0x243: {  	v1 =	vld.idx.msk [tilespmem:v28+s14+$0x0], $0xffff  }
0x244: {  	v33 =	vld [tilespmem:s20+$0x1080];
	v0 =	vadd.f32 v2, v0  }
0x245: {  	v2 =	vld.idx.msk [tilespmem:v29+s14+$0x0], $0xffff  }
0x246: {  	v34 =	vld [tilespmem:s20+$0x1100];
	v0 =	vadd.f32 v3, v0  }
0x247: {  	v3 =	vld.idx.msk [tilespmem:v30+s14+$0x0], $0xffff  }
0x248: {  	v35 =	vld [tilespmem:s20+$0x1180];
	v0 =	vadd.f32 v1, v0  }
0x249: {  	v1 =	vld.idx.msk [tilespmem:v31+s14+$0x0], $0xffff  }
0x24a: {  	v36 =	vld [tilespmem:s20+$0x1200];
	v0 =	vadd.f32 v2, v0  }
0x24b: {  	v2 =	vld.idx.msk [tilespmem:v32+s14+$0x0], $0xffff  }
0x24c: {  	v37 =	vld [tilespmem:s20+$0x1280];
	v0 =	vadd.f32 v3, v0  }
0x24d: {  	v3 =	vld.idx.msk [tilespmem:v33+s14+$0x0], $0xffff  }
0x24e: {  	v38 =	vld [tilespmem:s20+$0x1300];
	v0 =	vadd.f32 v1, v0  }
0x24f: {  	v1 =	vld.idx.msk [tilespmem:v34+s14+$0x0], $0xffff  }
0x250: {  	v39 =	vld [tilespmem:s20+$0x1380];
	v0 =	vadd.f32 v2, v0  }
0x251: {  	v2 =	vld.idx.msk [tilespmem:v35+s14+$0x0], $0xffff  }
0x252: {  	v40 =	vld [tilespmem:s20+$0x2000];
	v0 =	vadd.f32 v3, v0  }
0x253: {  	v3 =	vld.idx.msk [tilespmem:v36+s14+$0x0], $0xffff  }
0x254: {  	v41 =	vld [tilespmem:s20+$0x2080];
	v0 =	vadd.f32 v1, v0  }
0x255: {  	v1 =	vld.idx.msk [tilespmem:v37+s14+$0x0], $0xffff  }
0x256: {  	v42 =	vld [tilespmem:s20+$0x2100];
	v0 =	vadd.f32 v2, v0  }
0x257: {  	v2 =	vld.idx.msk [tilespmem:v38+s14+$0x0], $0xffff  }
0x258: {  	v43 =	vld [tilespmem:s20+$0x2180];
	v0 =	vadd.f32 v3, v0  }
0x259: {  	v3 =	vld.idx.msk [tilespmem:v39+s14+$0x0], $0xffff  }
0x25a: {  	v44 =	vld [tilespmem:s20+$0x2200];
	v0 =	vadd.f32 v1, v0  }
0x25b: {  	v1 =	vld.idx.msk [tilespmem:v40+s14+$0x0], $0xffff  }
0x25c: {  	v45 =	vld [tilespmem:s20+$0x2280];
	v0 =	vadd.f32 v2, v0  }
0x25d: {  	v2 =	vld.idx.msk [tilespmem:v41+s14+$0x0], $0xffff  }
0x25e: {  	v46 =	vld [tilespmem:s20+$0x2300];
	v0 =	vadd.f32 v3, v0  }
0x25f: {  	v3 =	vld.idx.msk [tilespmem:v42+s14+$0x0], $0xffff  }
0x260: {  	v47 =	vld [tilespmem:s20+$0x2380];
	v0 =	vadd.f32 v1, v0  }
0x261: {  	v1 =	vld.idx.msk [tilespmem:v43+s14+$0x0], $0xffff  }
0x262: {  	v48 =	vld [tilespmem:s20+$0x3000];
	v0 =	vadd.f32 v2, v0  }
0x263: {  	v2 =	vld.idx.msk [tilespmem:v44+s14+$0x0], $0xffff  }
0x264: {  	v49 =	vld [tilespmem:s20+$0x3080];
	v0 =	vadd.f32 v3, v0  }
0x265: {  	v3 =	vld.idx.msk [tilespmem:v45+s14+$0x0], $0xffff  }
0x266: {  	v50 =	vld [tilespmem:s20+$0x3100];
	v0 =	vadd.f32 v1, v0  }
0x267: {  	v1 =	vld.idx.msk [tilespmem:v46+s14+$0x0], $0xffff  }
0x268: {  	v51 =	vld [tilespmem:s20+$0x3180];
	v0 =	vadd.f32 v2, v0  }
0x269: {  	v2 =	vld.idx.msk [tilespmem:v47+s14+$0x0], $0xffff  }
0x26a: {  	v52 =	vld [tilespmem:s20+$0x3200];
	v0 =	vadd.f32 v3, v0  }
0x26b: {  	v3 =	vld.idx.msk [tilespmem:v48+s14+$0x0], $0xffff  }
0x26c: {  	v53 =	vld [tilespmem:s20+$0x3280];
	v0 =	vadd.f32 v1, v0  }
0x26d: {  	v1 =	vld.idx.msk [tilespmem:v49+s14+$0x0], $0xffff  }
0x26e: {  	v54 =	vld [tilespmem:s20+$0x3300];
	v0 =	vadd.f32 v2, v0  }
0x26f: {  	v2 =	vld.idx.msk [tilespmem:v50+s14+$0x0], $0xffff  }
0x270: {  	v55 =	vld [tilespmem:s20+$0x3380];
	v0 =	vadd.f32 v3, v0  }
0x271: {  	v3 =	vld.idx.msk [tilespmem:v51+s14+$0x0], $0xffff  }
0x272: {  	v56 =	vld [tilespmem:s20+$0x4000];
	v0 =	vadd.f32 v1, v0  }
0x273: {  	v1 =	vld.idx.msk [tilespmem:v52+s14+$0x0], $0xffff  }
0x274: {  	v57 =	vld [tilespmem:s20+$0x4080];
	v0 =	vadd.f32 v2, v0  }
0x275: {  	v2 =	vld.idx.msk [tilespmem:v53+s14+$0x0], $0xffff  }
0x276: {  	v58 =	vld [tilespmem:s20+$0x4100];
	v0 =	vadd.f32 v3, v0  }
0x277: {  	v3 =	vld.idx.msk [tilespmem:v54+s14+$0x0], $0xffff  }
0x278: {  	v59 =	vld [tilespmem:s20+$0x4180];
	v0 =	vadd.f32 v1, v0  }
0x279: {  	v1 =	vld.idx.msk [tilespmem:v55+s14+$0x0], $0xffff  }
0x27a: {  	v60 =	vld [tilespmem:s20+$0x4200];
	v0 =	vadd.f32 v2, v0  }
0x27b: {  	v2 =	vld.idx.msk [tilespmem:v56+s14+$0x0], $0xffff  }
0x27c: {  	v61 =	vld [tilespmem:s20+$0x4280];
	v0 =	vadd.f32 v3, v0  }
0x27d: {  	v3 =	vld.idx.msk [tilespmem:v57+s14+$0x0], $0xffff  }
0x27e: {  	v62 =	vld [tilespmem:s20+$0x4300];
	v0 =	vadd.f32 v1, v0  }
0x27f: {  	v1 =	vld.idx.msk [tilespmem:v58+s14+$0x0], $0xffff  }
0x280: {  	v63 =	vld [tilespmem:s20+$0x4380];
	v0 =	vadd.f32 v2, v0  }
0x281: {  	v2 =	vld.idx.msk [tilespmem:v59+s14+$0x0], $0xffff  }
0x282: {  	v0 =	vadd.f32 v3, v0  }
0x283: {  	v3 =	vld.idx.msk [tilespmem:v60+s14+$0x0], $0xffff  }
0x284: {  	v0 =	vadd.f32 v1, v0  }
0x285: {  	v1 =	vld.idx.msk [tilespmem:v61+s14+$0x0], $0xffff  }
0x286: {  	v0 =	vadd.f32 v2, v0  }
0x287: {  	v2 =	vld.idx.msk [tilespmem:v62+s14+$0x0], $0xffff  }
0x288: {  	v0 =	vadd.f32 v3, v0  }
0x289: {  	v3 =	vld.idx.msk [tilespmem:v63+s14+$0x0], $0xffff  }
0x28a: {  	s20 =	simm.s32 $0xA400;
	v0 =	vadd.f32 v1, v0  }
0x28b: {  	v1 =	vld [tilespmem:s20+$0x0]  }
0x28c: {  	v0 =	vadd.f32 v2, v0;
	_ =	sdelay $0x1  }
0x28d: {  	v0 =	vadd.f32 v3, v0;
	_ =	sdelay $0x1  }
0x28e: {  	s22 =	simm.s32 $0x10;
	s21 =	simm.s32 $0x80;
	v0 =	vadd.f32 v1, v0  }
0x28f: {  	s23 =	sand.u32 $0x70, s22;
	s22 =	simm.s32 $0x20;
	s24 =	sand.u32 $0xC00, s21  }
.LBB2_6:
0x290: {  	p0 =	sne.s32 s22, $0x1F0;
	s23 =	sor.u32 s23, s24;
	[tilespmem:s20+$0x0] =	vst v0  }
0x291: {  	v0 =	vld [tilespmem:s23+$0x0];
	_ =	sdelay $0x1  }
0x292: {  	v1 =	vld [tilespmem:s23+$0x80];
	_ =	sdelay $0x1  }
0x293: {  	v2 =	vld [tilespmem:s23+$0x100];
	_ =	sdelay $0x1  }
0x294: {  	v3 =	vld [tilespmem:s23+$0x180]  }
0x295: {  	v4 =	vld [tilespmem:s23+$0x200]  }
0x296: {  	v0 =	vld.idx.msk [tilespmem:v0+s14+$0x0], $0xffff  }
0x297: {  	v5 =	vld [tilespmem:s23+$0x280]  }
0x298: {  	v1 =	vld.idx.msk [tilespmem:v1+s14+$0x0], $0xffff  }
0x299: {  	v6 =	vld [tilespmem:s23+$0x300]  }
0x29a: {  	v2 =	vld.idx.msk [tilespmem:v2+s14+$0x0], $0xffff  }
0x29b: {  	v7 =	vld [tilespmem:s23+$0x380]  }
0x29c: {  	v0 =	vadd.f32 $0.0e+00, v0;
	v3 =	vld.idx.msk [tilespmem:v3+s14+$0x0], $0xffff  }
0x29d: {  	v8 =	vld [tilespmem:s23+$0x1000]  }
0x29e: {  	v0 =	vadd.f32 v1, v0;
	v1 =	vld.idx.msk [tilespmem:v4+s14+$0x0], $0xffff  }
0x29f: {  	v4 =	vld [tilespmem:s23+$0x1080]  }
0x2a0: {  	v0 =	vadd.f32 v2, v0;
	v2 =	vld.idx.msk [tilespmem:v5+s14+$0x0], $0xffff  }
0x2a1: {  	v5 =	vld [tilespmem:s23+$0x1100]  }
0x2a2: {  	v0 =	vadd.f32 v3, v0;
	v3 =	vld.idx.msk [tilespmem:v6+s14+$0x0], $0xffff  }
0x2a3: {  	v6 =	vld [tilespmem:s23+$0x1180]  }
0x2a4: {  	v0 =	vadd.f32 v1, v0;
	v1 =	vld.idx.msk [tilespmem:v7+s14+$0x0], $0xffff  }
0x2a5: {  	v7 =	vld [tilespmem:s23+$0x1200]  }
0x2a6: {  	v0 =	vadd.f32 v2, v0;
	v2 =	vld.idx.msk [tilespmem:v8+s14+$0x0], $0xffff  }
0x2a7: {  	v8 =	vld [tilespmem:s23+$0x1280]  }
0x2a8: {  	v0 =	vadd.f32 v3, v0;
	v3 =	vld.idx.msk [tilespmem:v4+s14+$0x0], $0xffff  }
0x2a9: {  	v4 =	vld [tilespmem:s23+$0x1300]  }
0x2aa: {  	v0 =	vadd.f32 v1, v0;
	v1 =	vld.idx.msk [tilespmem:v5+s14+$0x0], $0xffff  }
0x2ab: {  	v5 =	vld [tilespmem:s23+$0x1380]  }
0x2ac: {  	v0 =	vadd.f32 v2, v0;
	v2 =	vld.idx.msk [tilespmem:v6+s14+$0x0], $0xffff  }
0x2ad: {  	v6 =	vld [tilespmem:s23+$0x2000]  }
0x2ae: {  	v0 =	vadd.f32 v3, v0;
	v3 =	vld.idx.msk [tilespmem:v7+s14+$0x0], $0xffff  }
0x2af: {  	v7 =	vld [tilespmem:s23+$0x2080]  }
0x2b0: {  	v0 =	vadd.f32 v1, v0;
	v1 =	vld.idx.msk [tilespmem:v8+s14+$0x0], $0xffff  }
0x2b1: {  	v8 =	vld [tilespmem:s23+$0x2100]  }
0x2b2: {  	v0 =	vadd.f32 v2, v0;
	v2 =	vld.idx.msk [tilespmem:v4+s14+$0x0], $0xffff  }
0x2b3: {  	v4 =	vld [tilespmem:s23+$0x2180]  }
0x2b4: {  	v0 =	vadd.f32 v3, v0;
	v3 =	vld.idx.msk [tilespmem:v5+s14+$0x0], $0xffff  }
0x2b5: {  	v5 =	vld [tilespmem:s23+$0x2200]  }
0x2b6: {  	v0 =	vadd.f32 v1, v0;
	v1 =	vld.idx.msk [tilespmem:v6+s14+$0x0], $0xffff  }
0x2b7: {  	v6 =	vld [tilespmem:s23+$0x2280]  }
0x2b8: {  	v0 =	vadd.f32 v2, v0;
	v2 =	vld.idx.msk [tilespmem:v7+s14+$0x0], $0xffff  }
0x2b9: {  	v7 =	vld [tilespmem:s23+$0x2300]  }
0x2ba: {  	v0 =	vadd.f32 v3, v0;
	v3 =	vld.idx.msk [tilespmem:v8+s14+$0x0], $0xffff  }
0x2bb: {  	v8 =	vld [tilespmem:s23+$0x2380]  }
0x2bc: {  	v0 =	vadd.f32 v1, v0;
	v1 =	vld.idx.msk [tilespmem:v4+s14+$0x0], $0xffff  }
0x2bd: {  	v4 =	vld [tilespmem:s23+$0x3000]  }
0x2be: {  	v0 =	vadd.f32 v2, v0;
	v2 =	vld.idx.msk [tilespmem:v5+s14+$0x0], $0xffff  }
0x2bf: {  	v5 =	vld [tilespmem:s23+$0x3080]  }
0x2c0: {  	v0 =	vadd.f32 v3, v0;
	v3 =	vld.idx.msk [tilespmem:v6+s14+$0x0], $0xffff  }
0x2c1: {  	v6 =	vld [tilespmem:s23+$0x3100]  }
0x2c2: {  	v0 =	vadd.f32 v1, v0;
	v1 =	vld.idx.msk [tilespmem:v7+s14+$0x0], $0xffff  }
0x2c3: {  	v7 =	vld [tilespmem:s23+$0x3180]  }
0x2c4: {  	v0 =	vadd.f32 v2, v0;
	v2 =	vld.idx.msk [tilespmem:v8+s14+$0x0], $0xffff  }
0x2c5: {  	v8 =	vld [tilespmem:s23+$0x3200]  }
0x2c6: {  	v0 =	vadd.f32 v3, v0;
	v3 =	vld.idx.msk [tilespmem:v4+s14+$0x0], $0xffff  }
0x2c7: {  	v4 =	vld [tilespmem:s23+$0x3280]  }
0x2c8: {  	v0 =	vadd.f32 v1, v0;
	v1 =	vld.idx.msk [tilespmem:v5+s14+$0x0], $0xffff  }
0x2c9: {  	v5 =	vld [tilespmem:s23+$0x3300]  }
0x2ca: {  	v0 =	vadd.f32 v2, v0;
	v2 =	vld.idx.msk [tilespmem:v6+s14+$0x0], $0xffff  }
0x2cb: {  	v6 =	vld [tilespmem:s23+$0x3380]  }
0x2cc: {  	v0 =	vadd.f32 v3, v0;
	v3 =	vld.idx.msk [tilespmem:v7+s14+$0x0], $0xffff  }
0x2cd: {  	v7 =	vld [tilespmem:s23+$0x4000]  }
0x2ce: {  	v0 =	vadd.f32 v1, v0;
	v1 =	vld.idx.msk [tilespmem:v8+s14+$0x0], $0xffff  }
0x2cf: {  	v8 =	vld [tilespmem:s23+$0x4080]  }
0x2d0: {  	v0 =	vadd.f32 v2, v0;
	v2 =	vld.idx.msk [tilespmem:v4+s14+$0x0], $0xffff  }
0x2d1: {  	v4 =	vld [tilespmem:s23+$0x4100]  }
0x2d2: {  	v0 =	vadd.f32 v3, v0;
	v3 =	vld.idx.msk [tilespmem:v5+s14+$0x0], $0xffff  }
0x2d3: {  	v5 =	vld [tilespmem:s23+$0x4180]  }
0x2d4: {  	v0 =	vadd.f32 v1, v0;
	v1 =	vld.idx.msk [tilespmem:v6+s14+$0x0], $0xffff  }
0x2d5: {  	v6 =	vld [tilespmem:s23+$0x4200]  }
0x2d6: {  	v0 =	vadd.f32 v2, v0;
	v2 =	vld.idx.msk [tilespmem:v7+s14+$0x0], $0xffff  }
0x2d7: {  	v7 =	vld [tilespmem:s23+$0x4280]  }
0x2d8: {  	v0 =	vadd.f32 v3, v0;
	v3 =	vld.idx.msk [tilespmem:v8+s14+$0x0], $0xffff  }
0x2d9: {  	v8 =	vld [tilespmem:s23+$0x4300]  }
0x2da: {  	v0 =	vadd.f32 v1, v0;
	v1 =	vld.idx.msk [tilespmem:v4+s14+$0x0], $0xffff  }
0x2db: {  	v4 =	vld [tilespmem:s23+$0x4380]  }
0x2dc: {  	v0 =	vadd.f32 v2, v0;
	v2 =	vld.idx.msk [tilespmem:v5+s14+$0x0], $0xffff;
	_ =	sdelay $0x1  }
0x2dd: {  	v0 =	vadd.f32 v3, v0;
	v3 =	vld.idx.msk [tilespmem:v6+s14+$0x0], $0xffff;
	_ =	sdelay $0x1  }
0x2de: {  	v0 =	vadd.f32 v1, v0;
	v1 =	vld.idx.msk [tilespmem:v7+s14+$0x0], $0xffff;
	_ =	sdelay $0x1  }
0x2df: {  	v0 =	vadd.f32 v2, v0;
	v2 =	vld.idx.msk [tilespmem:v8+s14+$0x0], $0xffff;
	_ =	sdelay $0x1  }
0x2e0: {  	v0 =	vadd.f32 v3, v0;
	v3 =	vld.idx.msk [tilespmem:v4+s14+$0x0], $0xffff;
	_ =	sdelay $0x1  }
0x2e1: {  	s20 =	sadd.s32 $0x10, s20;
	v0 =	vadd.f32 v1, v0  }
0x2e2: {  	v1 =	vld [tilespmem:s20+$0x0]  }
0x2e3: {  	v0 =	vadd.f32 v2, v0  }
.Ltmp2:
0x2e4: {  	(pc) =	sbr.rel @p0 .LBB2_6-.Ltmp2, $3  }
0x2e5: {  	v0 =	vadd.f32 v3, v0;
	_ =	sdelay $0x1  }
0x2e6: {  	s21 =	sadd.s32 $0x80, s21;
	v0 =	vadd.f32 v1, v0  }
0x2e7: {  	s24 =	sand.u32 $0xC00, s21;
	s23 =	sand.u32 $0x70, s22;
	s22 =	sadd.s32 $0x10, s22  }
0x2e8: {  	s21 =	sor.u32 s23, s24;
	[tilespmem:s20+$0x0] =	vst v0  }
0x2e9: {  	v0 =	vld [tilespmem:s21+$0x0];
	_ =	sdelay $0x1  }
0x2ea: {  	v1 =	vld [tilespmem:s21+$0x80];
	_ =	sdelay $0x1  }
0x2eb: {  	v2 =	vld [tilespmem:s21+$0x100];
	_ =	sdelay $0x1  }
0x2ec: {  	v3 =	vld [tilespmem:s21+$0x180]  }
0x2ed: {  	v4 =	vld [tilespmem:s21+$0x200]  }
0x2ee: {  	v0 =	vld.idx.msk [tilespmem:v0+s14+$0x0], $0xffff  }
0x2ef: {  	v5 =	vld [tilespmem:s21+$0x280]  }
0x2f0: {  	v1 =	vld.idx.msk [tilespmem:v1+s14+$0x0], $0xffff  }
0x2f1: {  	v6 =	vld [tilespmem:s21+$0x300]  }
0x2f2: {  	v2 =	vld.idx.msk [tilespmem:v2+s14+$0x0], $0xffff  }
0x2f3: {  	v7 =	vld [tilespmem:s21+$0x380];
	v0 =	vadd.f32 $0.0e+00, v0  }
0x2f4: {  	v3 =	vld.idx.msk [tilespmem:v3+s14+$0x0], $0xffff  }
0x2f5: {  	v8 =	vld [tilespmem:s21+$0x1000];
	v0 =	vadd.f32 v1, v0  }
0x2f6: {  	v1 =	vld.idx.msk [tilespmem:v4+s14+$0x0], $0xffff  }
0x2f7: {  	v49 =	vld [tilespmem:s21+$0x1080];
	v0 =	vadd.f32 v2, v0  }
0x2f8: {  	v2 =	vld.idx.msk [tilespmem:v5+s14+$0x0], $0xffff  }
0x2f9: {  	v50 =	vld [tilespmem:s21+$0x1100];
	v0 =	vadd.f32 v3, v0  }
0x2fa: {  	v3 =	vld.idx.msk [tilespmem:v6+s14+$0x0], $0xffff  }
0x2fb: {  	v51 =	vld [tilespmem:s21+$0x1180];
	v0 =	vadd.f32 v1, v0  }
0x2fc: {  	v1 =	vld.idx.msk [tilespmem:v7+s14+$0x0], $0xffff  }
0x2fd: {  	v52 =	vld [tilespmem:s21+$0x1200];
	v0 =	vadd.f32 v2, v0  }
0x2fe: {  	v2 =	vld.idx.msk [tilespmem:v8+s14+$0x0], $0xffff  }
0x2ff: {  	v53 =	vld [tilespmem:s21+$0x1280];
	v0 =	vadd.f32 v3, v0  }
0x300: {  	v3 =	vld.idx.msk [tilespmem:v49+s14+$0x0], $0xffff  }
0x301: {  	v54 =	vld [tilespmem:s21+$0x1300];
	v0 =	vadd.f32 v1, v0  }
0x302: {  	v1 =	vld.idx.msk [tilespmem:v50+s14+$0x0], $0xffff  }
0x303: {  	v55 =	vld [tilespmem:s21+$0x1380];
	v0 =	vadd.f32 v2, v0  }
0x304: {  	v2 =	vld.idx.msk [tilespmem:v51+s14+$0x0], $0xffff  }
0x305: {  	v56 =	vld [tilespmem:s21+$0x2000];
	v0 =	vadd.f32 v3, v0  }
0x306: {  	v3 =	vld.idx.msk [tilespmem:v52+s14+$0x0], $0xffff  }
0x307: {  	v57 =	vld [tilespmem:s21+$0x2080];
	v0 =	vadd.f32 v1, v0  }
0x308: {  	v1 =	vld.idx.msk [tilespmem:v53+s14+$0x0], $0xffff  }
0x309: {  	v58 =	vld [tilespmem:s21+$0x2100];
	v0 =	vadd.f32 v2, v0  }
0x30a: {  	v2 =	vld.idx.msk [tilespmem:v54+s14+$0x0], $0xffff  }
0x30b: {  	v59 =	vld [tilespmem:s21+$0x2180];
	v0 =	vadd.f32 v3, v0  }
0x30c: {  	v3 =	vld.idx.msk [tilespmem:v55+s14+$0x0], $0xffff  }
0x30d: {  	v60 =	vld [tilespmem:s21+$0x2200];
	v0 =	vadd.f32 v1, v0  }
0x30e: {  	v1 =	vld.idx.msk [tilespmem:v56+s14+$0x0], $0xffff  }
0x30f: {  	v61 =	vld [tilespmem:s21+$0x2280];
	v0 =	vadd.f32 v2, v0  }
0x310: {  	v2 =	vld.idx.msk [tilespmem:v57+s14+$0x0], $0xffff  }
0x311: {  	v62 =	vld [tilespmem:s21+$0x2300];
	v0 =	vadd.f32 v3, v0  }
0x312: {  	v3 =	vld.idx.msk [tilespmem:v58+s14+$0x0], $0xffff  }
0x313: {  	v63 =	vld [tilespmem:s21+$0x2380];
	v0 =	vadd.f32 v1, v0  }
0x314: {  	v1 =	vld.idx.msk [tilespmem:v59+s14+$0x0], $0xffff  }
0x315: {  	v12 =	vld [tilespmem:s21+$0x3000];
	v0 =	vadd.f32 v2, v0  }
0x316: {  	v2 =	vld.idx.msk [tilespmem:v60+s14+$0x0], $0xffff  }
0x317: {  	v13 =	vld [tilespmem:s21+$0x3080];
	v0 =	vadd.f32 v3, v0  }
0x318: {  	v3 =	vld.idx.msk [tilespmem:v61+s14+$0x0], $0xffff  }
0x319: {  	v14 =	vld [tilespmem:s21+$0x3100];
	v0 =	vadd.f32 v1, v0  }
0x31a: {  	v1 =	vld.idx.msk [tilespmem:v62+s14+$0x0], $0xffff  }
0x31b: {  	v15 =	vld [tilespmem:s21+$0x3180];
	v0 =	vadd.f32 v2, v0  }
0x31c: {  	v2 =	vld.idx.msk [tilespmem:v63+s14+$0x0], $0xffff  }
0x31d: {  	v16 =	vld [tilespmem:s21+$0x3200];
	v0 =	vadd.f32 v3, v0  }
0x31e: {  	v3 =	vld.idx.msk [tilespmem:v12+s14+$0x0], $0xffff  }
0x31f: {  	v17 =	vld [tilespmem:s21+$0x3280];
	v0 =	vadd.f32 v1, v0  }
0x320: {  	v1 =	vld.idx.msk [tilespmem:v13+s14+$0x0], $0xffff  }
0x321: {  	v18 =	vld [tilespmem:s21+$0x3300];
	v0 =	vadd.f32 v2, v0  }
0x322: {  	v2 =	vld.idx.msk [tilespmem:v14+s14+$0x0], $0xffff  }
0x323: {  	v19 =	vld [tilespmem:s21+$0x3380];
	v0 =	vadd.f32 v3, v0  }
0x324: {  	v3 =	vld.idx.msk [tilespmem:v15+s14+$0x0], $0xffff  }
0x325: {  	v20 =	vld [tilespmem:s21+$0x4000];
	v0 =	vadd.f32 v1, v0  }
0x326: {  	v1 =	vld.idx.msk [tilespmem:v16+s14+$0x0], $0xffff  }
0x327: {  	v21 =	vld [tilespmem:s21+$0x4080];
	v0 =	vadd.f32 v2, v0  }
0x328: {  	v2 =	vld.idx.msk [tilespmem:v17+s14+$0x0], $0xffff  }
0x329: {  	v22 =	vld [tilespmem:s21+$0x4100];
	v0 =	vadd.f32 v3, v0  }
0x32a: {  	v3 =	vld.idx.msk [tilespmem:v18+s14+$0x0], $0xffff  }
0x32b: {  	v23 =	vld [tilespmem:s21+$0x4180];
	v0 =	vadd.f32 v1, v0  }
0x32c: {  	v1 =	vld.idx.msk [tilespmem:v19+s14+$0x0], $0xffff  }
0x32d: {  	v24 =	vld [tilespmem:s21+$0x4200];
	v0 =	vadd.f32 v2, v0  }
0x32e: {  	v2 =	vld.idx.msk [tilespmem:v20+s14+$0x0], $0xffff  }
0x32f: {  	v25 =	vld [tilespmem:s21+$0x4280];
	v0 =	vadd.f32 v3, v0  }
0x330: {  	v3 =	vld.idx.msk [tilespmem:v21+s14+$0x0], $0xffff  }
0x331: {  	v26 =	vld [tilespmem:s21+$0x4300];
	v0 =	vadd.f32 v1, v0  }
0x332: {  	v1 =	vld.idx.msk [tilespmem:v22+s14+$0x0], $0xffff  }
0x333: {  	v27 =	vld [tilespmem:s21+$0x4380];
	v0 =	vadd.f32 v2, v0  }
0x334: {  	v2 =	vld.idx.msk [tilespmem:v23+s14+$0x0], $0xffff  }
0x335: {  	v0 =	vadd.f32 v3, v0  }
0x336: {  	v3 =	vld.idx.msk [tilespmem:v24+s14+$0x0], $0xffff  }
0x337: {  	v0 =	vadd.f32 v1, v0  }
0x338: {  	v1 =	vld.idx.msk [tilespmem:v25+s14+$0x0], $0xffff  }
0x339: {  	v0 =	vadd.f32 v2, v0  }
0x33a: {  	v2 =	vld.idx.msk [tilespmem:v26+s14+$0x0], $0xffff  }
0x33b: {  	v0 =	vadd.f32 v3, v0  }
0x33c: {  	v3 =	vld.idx.msk [tilespmem:v27+s14+$0x0], $0xffff  }
0x33d: {  	s29 =	sadd.s32 $0x10, s20;
	v0 =	vadd.f32 v1, v0  }
0x33e: {  	v1 =	vld [tilespmem:s29+$0x0]  }
0x33f: {  	v0 =	vadd.f32 v2, v0;
	_ =	sdelay $0x1  }
0x340: {  	v0 =	vadd.f32 v3, v0;
	_ =	sdelay $0x1  }
0x341: {  	v0 =	vadd.f32 v1, v0;
	_ =	sdelay $0x1  }
0x342: {  	s30 =	simm.s32 $0x0;
	[tilespmem:s29+$0x0] =	vst v0  }
0x343: {  	[tilespmem:s30], [sflag:$0x1] =	stream.strided.gather [hbm4b:s8+s11], $0x5000, s12, s11, $0x38;
	[tilespmem:$0xA600] =	vst v63  }
0x344: {  	_ =	swait.ge [sflag:s17], $0x5000  }
0x345: {  	s31 =	sand.u32 $0x70, s30;
	s20 =	sand.u32 $0xC00, s30;
	[sflag:s17] =	ssyncset.done $0x0  }
0x346: {  	s20 =	sor.u32 s31, s20;
	[sflag:s17] =	ssyncadd.s32 $0xFFFFB000  }
0x347: {  	v0 =	vld [tilespmem:s20+$0x5000];
	_ =	sdelay $0x1  }
0x348: {  	v1 =	vld [tilespmem:s20+$0x5080];
	_ =	sdelay $0x1  }
0x349: {  	v2 =	vld [tilespmem:s20+$0x5100];
	_ =	sdelay $0x1  }
0x34a: {  	v3 =	vld [tilespmem:s20+$0x5180]  }
0x34b: {  	v28 =	vld [tilespmem:s20+$0x5200]  }
0x34c: {  	v0 =	vld.idx.msk [tilespmem:v0+s14+$0x0], $0xffff  }
0x34d: {  	v29 =	vld [tilespmem:s20+$0x5280]  }
0x34e: {  	v1 =	vld.idx.msk [tilespmem:v1+s14+$0x0], $0xffff  }
0x34f: {  	v30 =	vld [tilespmem:s20+$0x5300]  }
0x350: {  	v2 =	vld.idx.msk [tilespmem:v2+s14+$0x0], $0xffff  }
0x351: {  	v31 =	vld [tilespmem:s20+$0x5380];
	v0 =	vadd.f32 $0.0e+00, v0  }
0x352: {  	v3 =	vld.idx.msk [tilespmem:v3+s14+$0x0], $0xffff  }
0x353: {  	v32 =	vld [tilespmem:s20+$0x6000];
	v0 =	vadd.f32 v1, v0  }
0x354: {  	v1 =	vld.idx.msk [tilespmem:v28+s14+$0x0], $0xffff  }
0x355: {  	v33 =	vld [tilespmem:s20+$0x6080];
	v0 =	vadd.f32 v2, v0  }
0x356: {  	v2 =	vld.idx.msk [tilespmem:v29+s14+$0x0], $0xffff  }
0x357: {  	v34 =	vld [tilespmem:s20+$0x6100];
	v0 =	vadd.f32 v3, v0  }
0x358: {  	v3 =	vld.idx.msk [tilespmem:v30+s14+$0x0], $0xffff  }
0x359: {  	v35 =	vld [tilespmem:s20+$0x6180];
	v0 =	vadd.f32 v1, v0  }
0x35a: {  	v1 =	vld.idx.msk [tilespmem:v31+s14+$0x0], $0xffff  }
0x35b: {  	v36 =	vld [tilespmem:s20+$0x6200];
	v0 =	vadd.f32 v2, v0  }
0x35c: {  	v2 =	vld.idx.msk [tilespmem:v32+s14+$0x0], $0xffff  }
0x35d: {  	v37 =	vld [tilespmem:s20+$0x6280];
	v0 =	vadd.f32 v3, v0  }
0x35e: {  	v3 =	vld.idx.msk [tilespmem:v33+s14+$0x0], $0xffff  }
0x35f: {  	v38 =	vld [tilespmem:s20+$0x6300];
	v0 =	vadd.f32 v1, v0  }
0x360: {  	v1 =	vld.idx.msk [tilespmem:v34+s14+$0x0], $0xffff  }
0x361: {  	v39 =	vld [tilespmem:s20+$0x6380];
	v0 =	vadd.f32 v2, v0  }
0x362: {  	v2 =	vld.idx.msk [tilespmem:v35+s14+$0x0], $0xffff  }
0x363: {  	v40 =	vld [tilespmem:s20+$0x7000];
	v0 =	vadd.f32 v3, v0  }
0x364: {  	v3 =	vld.idx.msk [tilespmem:v36+s14+$0x0], $0xffff  }
0x365: {  	v41 =	vld [tilespmem:s20+$0x7080];
	v0 =	vadd.f32 v1, v0  }
0x366: {  	v1 =	vld.idx.msk [tilespmem:v37+s14+$0x0], $0xffff  }
0x367: {  	v42 =	vld [tilespmem:s20+$0x7100];
	v0 =	vadd.f32 v2, v0  }
0x368: {  	v2 =	vld.idx.msk [tilespmem:v38+s14+$0x0], $0xffff  }
0x369: {  	v43 =	vld [tilespmem:s20+$0x7180];
	v0 =	vadd.f32 v3, v0  }
0x36a: {  	v3 =	vld.idx.msk [tilespmem:v39+s14+$0x0], $0xffff  }
0x36b: {  	v44 =	vld [tilespmem:s20+$0x7200];
	v0 =	vadd.f32 v1, v0  }
0x36c: {  	v1 =	vld.idx.msk [tilespmem:v40+s14+$0x0], $0xffff  }
0x36d: {  	v45 =	vld [tilespmem:s20+$0x7280];
	v0 =	vadd.f32 v2, v0  }
0x36e: {  	v2 =	vld.idx.msk [tilespmem:v41+s14+$0x0], $0xffff  }
0x36f: {  	v46 =	vld [tilespmem:s20+$0x7300];
	v0 =	vadd.f32 v3, v0  }
0x370: {  	v3 =	vld.idx.msk [tilespmem:v42+s14+$0x0], $0xffff  }
0x371: {  	v47 =	vld [tilespmem:s20+$0x7380];
	v0 =	vadd.f32 v1, v0  }
0x372: {  	v1 =	vld.idx.msk [tilespmem:v43+s14+$0x0], $0xffff  }
0x373: {  	v48 =	vld [tilespmem:s20+$0x8000];
	v0 =	vadd.f32 v2, v0  }
0x374: {  	v2 =	vld.idx.msk [tilespmem:v44+s14+$0x0], $0xffff  }
0x375: {  	v49 =	vld [tilespmem:s20+$0x8080];
	v0 =	vadd.f32 v3, v0  }
0x376: {  	v3 =	vld.idx.msk [tilespmem:v45+s14+$0x0], $0xffff  }
0x377: {  	v50 =	vld [tilespmem:s20+$0x8100];
	v0 =	vadd.f32 v1, v0  }
0x378: {  	v1 =	vld.idx.msk [tilespmem:v46+s14+$0x0], $0xffff  }
0x379: {  	v51 =	vld [tilespmem:s20+$0x8180];
	v0 =	vadd.f32 v2, v0  }
0x37a: {  	v2 =	vld.idx.msk [tilespmem:v47+s14+$0x0], $0xffff  }
0x37b: {  	v52 =	vld [tilespmem:s20+$0x8200];
	v0 =	vadd.f32 v3, v0  }
0x37c: {  	v3 =	vld.idx.msk [tilespmem:v48+s14+$0x0], $0xffff  }
0x37d: {  	v53 =	vld [tilespmem:s20+$0x8280];
	v0 =	vadd.f32 v1, v0  }
0x37e: {  	v1 =	vld.idx.msk [tilespmem:v49+s14+$0x0], $0xffff  }
0x37f: {  	v54 =	vld [tilespmem:s20+$0x8300];
	v0 =	vadd.f32 v2, v0  }
0x380: {  	v2 =	vld.idx.msk [tilespmem:v50+s14+$0x0], $0xffff  }
0x381: {  	v55 =	vld [tilespmem:s20+$0x8380];
	v0 =	vadd.f32 v3, v0  }
0x382: {  	v3 =	vld.idx.msk [tilespmem:v51+s14+$0x0], $0xffff  }
0x383: {  	v56 =	vld [tilespmem:s20+$0x9000];
	v0 =	vadd.f32 v1, v0  }
0x384: {  	v1 =	vld.idx.msk [tilespmem:v52+s14+$0x0], $0xffff  }
0x385: {  	v57 =	vld [tilespmem:s20+$0x9080];
	v0 =	vadd.f32 v2, v0  }
0x386: {  	v2 =	vld.idx.msk [tilespmem:v53+s14+$0x0], $0xffff  }
0x387: {  	v58 =	vld [tilespmem:s20+$0x9100];
	v0 =	vadd.f32 v3, v0  }
0x388: {  	v3 =	vld.idx.msk [tilespmem:v54+s14+$0x0], $0xffff  }
0x389: {  	v59 =	vld [tilespmem:s20+$0x9180];
	v0 =	vadd.f32 v1, v0  }
0x38a: {  	v1 =	vld.idx.msk [tilespmem:v55+s14+$0x0], $0xffff  }
0x38b: {  	v60 =	vld [tilespmem:s20+$0x9200];
	v0 =	vadd.f32 v2, v0  }
0x38c: {  	v2 =	vld.idx.msk [tilespmem:v56+s14+$0x0], $0xffff  }
0x38d: {  	v61 =	vld [tilespmem:s20+$0x9280];
	v0 =	vadd.f32 v3, v0  }
0x38e: {  	v3 =	vld.idx.msk [tilespmem:v57+s14+$0x0], $0xffff  }
0x38f: {  	v62 =	vld [tilespmem:s20+$0x9300];
	v0 =	vadd.f32 v1, v0  }
0x390: {  	v1 =	vld.idx.msk [tilespmem:v58+s14+$0x0], $0xffff  }
0x391: {  	v63 =	vld [tilespmem:s20+$0x9380];
	v0 =	vadd.f32 v2, v0  }
0x392: {  	v2 =	vld.idx.msk [tilespmem:v59+s14+$0x0], $0xffff  }
0x393: {  	v0 =	vadd.f32 v3, v0  }
0x394: {  	v3 =	vld.idx.msk [tilespmem:v60+s14+$0x0], $0xffff  }
0x395: {  	v0 =	vadd.f32 v1, v0  }
0x396: {  	v1 =	vld.idx.msk [tilespmem:v61+s14+$0x0], $0xffff  }
0x397: {  	v0 =	vadd.f32 v2, v0  }
0x398: {  	v2 =	vld.idx.msk [tilespmem:v62+s14+$0x0], $0xffff  }
0x399: {  	v0 =	vadd.f32 v3, v0  }
0x39a: {  	v3 =	vld.idx.msk [tilespmem:v63+s14+$0x0], $0xffff  }
0x39b: {  	s20 =	simm.s32 $0xA400;
	v0 =	vadd.f32 v1, v0  }
0x39c: {  	v1 =	vld [tilespmem:s20+$0x0]  }
0x39d: {  	v0 =	vadd.f32 v2, v0;
	_ =	sdelay $0x1  }
0x39e: {  	v0 =	vadd.f32 v3, v0;
	_ =	sdelay $0x1  }
0x39f: {  	s22 =	simm.s32 $0x10;
	s21 =	simm.s32 $0x80;
	v0 =	vadd.f32 v1, v0  }
0x3a0: {  	s23 =	sand.u32 $0x70, s22;
	s22 =	simm.s32 $0x20;
	s24 =	sand.u32 $0xC00, s21  }
.LBB2_8:
0x3a1: {  	p0 =	sne.s32 s22, $0x1F0;
	s23 =	sor.u32 s23, s24;
	[tilespmem:s20+$0x0] =	vst v0  }
0x3a2: {  	v0 =	vld [tilespmem:s23+$0x5000];
	_ =	sdelay $0x1  }
0x3a3: {  	v1 =	vld [tilespmem:s23+$0x5080];
	_ =	sdelay $0x1  }
0x3a4: {  	v2 =	vld [tilespmem:s23+$0x5100];
	_ =	sdelay $0x1  }
0x3a5: {  	v3 =	vld [tilespmem:s23+$0x5180]  }
0x3a6: {  	v4 =	vld [tilespmem:s23+$0x5200]  }
0x3a7: {  	v0 =	vld.idx.msk [tilespmem:v0+s14+$0x0], $0xffff  }
0x3a8: {  	v5 =	vld [tilespmem:s23+$0x5280]  }
0x3a9: {  	v1 =	vld.idx.msk [tilespmem:v1+s14+$0x0], $0xffff  }
0x3aa: {  	v6 =	vld [tilespmem:s23+$0x5300]  }
0x3ab: {  	v2 =	vld.idx.msk [tilespmem:v2+s14+$0x0], $0xffff  }
0x3ac: {  	v7 =	vld [tilespmem:s23+$0x5380]  }
0x3ad: {  	v0 =	vadd.f32 $0.0e+00, v0;
	v3 =	vld.idx.msk [tilespmem:v3+s14+$0x0], $0xffff  }
0x3ae: {  	v8 =	vld [tilespmem:s23+$0x6000]  }
0x3af: {  	v0 =	vadd.f32 v1, v0;
	v1 =	vld.idx.msk [tilespmem:v4+s14+$0x0], $0xffff  }
0x3b0: {  	v4 =	vld [tilespmem:s23+$0x6080]  }
0x3b1: {  	v0 =	vadd.f32 v2, v0;
	v2 =	vld.idx.msk [tilespmem:v5+s14+$0x0], $0xffff  }
0x3b2: {  	v5 =	vld [tilespmem:s23+$0x6100]  }
0x3b3: {  	v0 =	vadd.f32 v3, v0;
	v3 =	vld.idx.msk [tilespmem:v6+s14+$0x0], $0xffff  }
0x3b4: {  	v6 =	vld [tilespmem:s23+$0x6180]  }
0x3b5: {  	v0 =	vadd.f32 v1, v0;
	v1 =	vld.idx.msk [tilespmem:v7+s14+$0x0], $0xffff  }
0x3b6: {  	v7 =	vld [tilespmem:s23+$0x6200]  }
0x3b7: {  	v0 =	vadd.f32 v2, v0;
	v2 =	vld.idx.msk [tilespmem:v8+s14+$0x0], $0xffff  }
0x3b8: {  	v8 =	vld [tilespmem:s23+$0x6280]  }
0x3b9: {  	v0 =	vadd.f32 v3, v0;
	v3 =	vld.idx.msk [tilespmem:v4+s14+$0x0], $0xffff  }
0x3ba: {  	v4 =	vld [tilespmem:s23+$0x6300]  }
0x3bb: {  	v0 =	vadd.f32 v1, v0;
	v1 =	vld.idx.msk [tilespmem:v5+s14+$0x0], $0xffff  }
0x3bc: {  	v5 =	vld [tilespmem:s23+$0x6380]  }
0x3bd: {  	v0 =	vadd.f32 v2, v0;
	v2 =	vld.idx.msk [tilespmem:v6+s14+$0x0], $0xffff  }
0x3be: {  	v6 =	vld [tilespmem:s23+$0x7000]  }
0x3bf: {  	v0 =	vadd.f32 v3, v0;
	v3 =	vld.idx.msk [tilespmem:v7+s14+$0x0], $0xffff  }
0x3c0: {  	v7 =	vld [tilespmem:s23+$0x7080]  }
0x3c1: {  	v0 =	vadd.f32 v1, v0;
	v1 =	vld.idx.msk [tilespmem:v8+s14+$0x0], $0xffff  }
0x3c2: {  	v8 =	vld [tilespmem:s23+$0x7100]  }
0x3c3: {  	v0 =	vadd.f32 v2, v0;
	v2 =	vld.idx.msk [tilespmem:v4+s14+$0x0], $0xffff  }
0x3c4: {  	v4 =	vld [tilespmem:s23+$0x7180]  }
0x3c5: {  	v0 =	vadd.f32 v3, v0;
	v3 =	vld.idx.msk [tilespmem:v5+s14+$0x0], $0xffff  }
0x3c6: {  	v5 =	vld [tilespmem:s23+$0x7200]  }
0x3c7: {  	v0 =	vadd.f32 v1, v0;
	v1 =	vld.idx.msk [tilespmem:v6+s14+$0x0], $0xffff  }
0x3c8: {  	v6 =	vld [tilespmem:s23+$0x7280]  }
0x3c9: {  	v0 =	vadd.f32 v2, v0;
	v2 =	vld.idx.msk [tilespmem:v7+s14+$0x0], $0xffff  }
0x3ca: {  	v7 =	vld [tilespmem:s23+$0x7300]  }
0x3cb: {  	v0 =	vadd.f32 v3, v0;
	v3 =	vld.idx.msk [tilespmem:v8+s14+$0x0], $0xffff  }
0x3cc: {  	v8 =	vld [tilespmem:s23+$0x7380]  }
0x3cd: {  	v0 =	vadd.f32 v1, v0;
	v1 =	vld.idx.msk [tilespmem:v4+s14+$0x0], $0xffff  }
0x3ce: {  	v4 =	vld [tilespmem:s23+$0x8000]  }
0x3cf: {  	v0 =	vadd.f32 v2, v0;
	v2 =	vld.idx.msk [tilespmem:v5+s14+$0x0], $0xffff  }
0x3d0: {  	v5 =	vld [tilespmem:s23+$0x8080]  }
0x3d1: {  	v0 =	vadd.f32 v3, v0;
	v3 =	vld.idx.msk [tilespmem:v6+s14+$0x0], $0xffff  }
0x3d2: {  	v6 =	vld [tilespmem:s23+$0x8100]  }
0x3d3: {  	v0 =	vadd.f32 v1, v0;
	v1 =	vld.idx.msk [tilespmem:v7+s14+$0x0], $0xffff  }
0x3d4: {  	v7 =	vld [tilespmem:s23+$0x8180]  }
0x3d5: {  	v0 =	vadd.f32 v2, v0;
	v2 =	vld.idx.msk [tilespmem:v8+s14+$0x0], $0xffff  }
0x3d6: {  	v8 =	vld [tilespmem:s23+$0x8200]  }
0x3d7: {  	v0 =	vadd.f32 v3, v0;
	v3 =	vld.idx.msk [tilespmem:v4+s14+$0x0], $0xffff  }
0x3d8: {  	v4 =	vld [tilespmem:s23+$0x8280]  }
0x3d9: {  	v0 =	vadd.f32 v1, v0;
	v1 =	vld.idx.msk [tilespmem:v5+s14+$0x0], $0xffff  }
0x3da: {  	v5 =	vld [tilespmem:s23+$0x8300]  }
0x3db: {  	v0 =	vadd.f32 v2, v0;
	v2 =	vld.idx.msk [tilespmem:v6+s14+$0x0], $0xffff  }
0x3dc: {  	v6 =	vld [tilespmem:s23+$0x8380]  }
0x3dd: {  	v0 =	vadd.f32 v3, v0;
	v3 =	vld.idx.msk [tilespmem:v7+s14+$0x0], $0xffff  }
0x3de: {  	v7 =	vld [tilespmem:s23+$0x9000]  }
0x3df: {  	v0 =	vadd.f32 v1, v0;
	v1 =	vld.idx.msk [tilespmem:v8+s14+$0x0], $0xffff  }
0x3e0: {  	v8 =	vld [tilespmem:s23+$0x9080]  }
0x3e1: {  	v0 =	vadd.f32 v2, v0;
	v2 =	vld.idx.msk [tilespmem:v4+s14+$0x0], $0xffff  }
0x3e2: {  	v4 =	vld [tilespmem:s23+$0x9100]  }
0x3e3: {  	v0 =	vadd.f32 v3, v0;
	v3 =	vld.idx.msk [tilespmem:v5+s14+$0x0], $0xffff  }
0x3e4: {  	v5 =	vld [tilespmem:s23+$0x9180]  }
0x3e5: {  	v0 =	vadd.f32 v1, v0;
	v1 =	vld.idx.msk [tilespmem:v6+s14+$0x0], $0xffff  }
0x3e6: {  	v6 =	vld [tilespmem:s23+$0x9200]  }
0x3e7: {  	v0 =	vadd.f32 v2, v0;
	v2 =	vld.idx.msk [tilespmem:v7+s14+$0x0], $0xffff  }
0x3e8: {  	v7 =	vld [tilespmem:s23+$0x9280]  }
0x3e9: {  	v0 =	vadd.f32 v3, v0;
	v3 =	vld.idx.msk [tilespmem:v8+s14+$0x0], $0xffff  }
0x3ea: {  	v8 =	vld [tilespmem:s23+$0x9300]  }
0x3eb: {  	v0 =	vadd.f32 v1, v0;
	v1 =	vld.idx.msk [tilespmem:v4+s14+$0x0], $0xffff  }
0x3ec: {  	v4 =	vld [tilespmem:s23+$0x9380]  }
0x3ed: {  	v0 =	vadd.f32 v2, v0;
	v2 =	vld.idx.msk [tilespmem:v5+s14+$0x0], $0xffff;
	_ =	sdelay $0x1  }
0x3ee: {  	v0 =	vadd.f32 v3, v0;
	v3 =	vld.idx.msk [tilespmem:v6+s14+$0x0], $0xffff;
	_ =	sdelay $0x1  }
0x3ef: {  	v0 =	vadd.f32 v1, v0;
	v1 =	vld.idx.msk [tilespmem:v7+s14+$0x0], $0xffff;
	_ =	sdelay $0x1  }
0x3f0: {  	v0 =	vadd.f32 v2, v0;
	v2 =	vld.idx.msk [tilespmem:v8+s14+$0x0], $0xffff;
	_ =	sdelay $0x1  }
0x3f1: {  	v0 =	vadd.f32 v3, v0;
	v3 =	vld.idx.msk [tilespmem:v4+s14+$0x0], $0xffff;
	_ =	sdelay $0x1  }
0x3f2: {  	s20 =	sadd.s32 $0x10, s20;
	v0 =	vadd.f32 v1, v0  }
0x3f3: {  	v1 =	vld [tilespmem:s20+$0x0]  }
0x3f4: {  	v0 =	vadd.f32 v2, v0  }
.Ltmp3:
0x3f5: {  	(pc) =	sbr.rel @p0 .LBB2_8-.Ltmp3, $3  }
0x3f6: {  	v0 =	vadd.f32 v3, v0;
	_ =	sdelay $0x1  }
0x3f7: {  	s21 =	sadd.s32 $0x80, s21;
	v0 =	vadd.f32 v1, v0  }
0x3f8: {  	s24 =	sand.u32 $0xC00, s21;
	s23 =	sand.u32 $0x70, s22;
	s22 =	sadd.s32 $0x10, s22  }
0x3f9: {  	s21 =	sor.u32 s23, s24;
	[tilespmem:s20+$0x0] =	vst v0  }
0x3fa: {  	v0 =	vld [tilespmem:s21+$0x5000];
	_ =	sdelay $0x1  }
0x3fb: {  	v1 =	vld [tilespmem:s21+$0x5080];
	_ =	sdelay $0x1  }
0x3fc: {  	v2 =	vld [tilespmem:s21+$0x5100];
	_ =	sdelay $0x1  }
0x3fd: {  	v3 =	vld [tilespmem:s21+$0x5180]  }
0x3fe: {  	v4 =	vld [tilespmem:s21+$0x5200]  }
0x3ff: {  	v0 =	vld.idx.msk [tilespmem:v0+s14+$0x0], $0xffff  }
0x400: {  	v5 =	vld [tilespmem:s21+$0x5280]  }
0x401: {  	v1 =	vld.idx.msk [tilespmem:v1+s14+$0x0], $0xffff  }
0x402: {  	v6 =	vld [tilespmem:s21+$0x5300]  }
0x403: {  	v2 =	vld.idx.msk [tilespmem:v2+s14+$0x0], $0xffff  }
0x404: {  	v7 =	vld [tilespmem:s21+$0x5380];
	v0 =	vadd.f32 $0.0e+00, v0  }
0x405: {  	v3 =	vld.idx.msk [tilespmem:v3+s14+$0x0], $0xffff  }
0x406: {  	v8 =	vld [tilespmem:s21+$0x6000];
	v0 =	vadd.f32 v1, v0  }
0x407: {  	v1 =	vld.idx.msk [tilespmem:v4+s14+$0x0], $0xffff  }
0x408: {  	v49 =	vld [tilespmem:s21+$0x6080];
	v0 =	vadd.f32 v2, v0  }
0x409: {  	v2 =	vld.idx.msk [tilespmem:v5+s14+$0x0], $0xffff  }
0x40a: {  	v50 =	vld [tilespmem:s21+$0x6100];
	v0 =	vadd.f32 v3, v0  }
0x40b: {  	v3 =	vld.idx.msk [tilespmem:v6+s14+$0x0], $0xffff  }
0x40c: {  	v51 =	vld [tilespmem:s21+$0x6180];
	v0 =	vadd.f32 v1, v0  }
0x40d: {  	v1 =	vld.idx.msk [tilespmem:v7+s14+$0x0], $0xffff  }
0x40e: {  	v52 =	vld [tilespmem:s21+$0x6200];
	v0 =	vadd.f32 v2, v0  }
0x40f: {  	v2 =	vld.idx.msk [tilespmem:v8+s14+$0x0], $0xffff  }
0x410: {  	v53 =	vld [tilespmem:s21+$0x6280];
	v0 =	vadd.f32 v3, v0  }
0x411: {  	v3 =	vld.idx.msk [tilespmem:v49+s14+$0x0], $0xffff  }
0x412: {  	v54 =	vld [tilespmem:s21+$0x6300];
	v0 =	vadd.f32 v1, v0  }
0x413: {  	v1 =	vld.idx.msk [tilespmem:v50+s14+$0x0], $0xffff  }
0x414: {  	v55 =	vld [tilespmem:s21+$0x6380];
	v0 =	vadd.f32 v2, v0  }
0x415: {  	v2 =	vld.idx.msk [tilespmem:v51+s14+$0x0], $0xffff  }
0x416: {  	v56 =	vld [tilespmem:s21+$0x7000];
	v0 =	vadd.f32 v3, v0  }
0x417: {  	v3 =	vld.idx.msk [tilespmem:v52+s14+$0x0], $0xffff  }
0x418: {  	v57 =	vld [tilespmem:s21+$0x7080];
	v0 =	vadd.f32 v1, v0  }
0x419: {  	v1 =	vld.idx.msk [tilespmem:v53+s14+$0x0], $0xffff  }
0x41a: {  	v58 =	vld [tilespmem:s21+$0x7100];
	v0 =	vadd.f32 v2, v0  }
0x41b: {  	v2 =	vld.idx.msk [tilespmem:v54+s14+$0x0], $0xffff  }
0x41c: {  	v59 =	vld [tilespmem:s21+$0x7180];
	v0 =	vadd.f32 v3, v0  }
0x41d: {  	v3 =	vld.idx.msk [tilespmem:v55+s14+$0x0], $0xffff  }
0x41e: {  	v60 =	vld [tilespmem:s21+$0x7200];
	v0 =	vadd.f32 v1, v0  }
0x41f: {  	v1 =	vld.idx.msk [tilespmem:v56+s14+$0x0], $0xffff  }
0x420: {  	v61 =	vld [tilespmem:s21+$0x7280];
	v0 =	vadd.f32 v2, v0  }
0x421: {  	v2 =	vld.idx.msk [tilespmem:v57+s14+$0x0], $0xffff  }
0x422: {  	v62 =	vld [tilespmem:s21+$0x7300];
	v0 =	vadd.f32 v3, v0  }
0x423: {  	v3 =	vld.idx.msk [tilespmem:v58+s14+$0x0], $0xffff  }
0x424: {  	v63 =	vld [tilespmem:s21+$0x7380];
	v0 =	vadd.f32 v1, v0  }
0x425: {  	v1 =	vld.idx.msk [tilespmem:v59+s14+$0x0], $0xffff  }
0x426: {  	v12 =	vld [tilespmem:s21+$0x8000];
	v0 =	vadd.f32 v2, v0  }
0x427: {  	v2 =	vld.idx.msk [tilespmem:v60+s14+$0x0], $0xffff  }
0x428: {  	v13 =	vld [tilespmem:s21+$0x8080];
	v0 =	vadd.f32 v3, v0  }
0x429: {  	v3 =	vld.idx.msk [tilespmem:v61+s14+$0x0], $0xffff  }
0x42a: {  	v14 =	vld [tilespmem:s21+$0x8100];
	v0 =	vadd.f32 v1, v0  }
0x42b: {  	v1 =	vld.idx.msk [tilespmem:v62+s14+$0x0], $0xffff  }
0x42c: {  	v15 =	vld [tilespmem:s21+$0x8180];
	v0 =	vadd.f32 v2, v0  }
0x42d: {  	v2 =	vld.idx.msk [tilespmem:v63+s14+$0x0], $0xffff  }
0x42e: {  	v16 =	vld [tilespmem:s21+$0x8200];
	v0 =	vadd.f32 v3, v0  }
0x42f: {  	v3 =	vld.idx.msk [tilespmem:v12+s14+$0x0], $0xffff  }
0x430: {  	v17 =	vld [tilespmem:s21+$0x8280];
	v0 =	vadd.f32 v1, v0  }
0x431: {  	v1 =	vld.idx.msk [tilespmem:v13+s14+$0x0], $0xffff  }
0x432: {  	v18 =	vld [tilespmem:s21+$0x8300];
	v0 =	vadd.f32 v2, v0  }
0x433: {  	v2 =	vld.idx.msk [tilespmem:v14+s14+$0x0], $0xffff  }
0x434: {  	v19 =	vld [tilespmem:s21+$0x8380];
	v0 =	vadd.f32 v3, v0  }
0x435: {  	v3 =	vld.idx.msk [tilespmem:v15+s14+$0x0], $0xffff  }
0x436: {  	v20 =	vld [tilespmem:s21+$0x9000];
	v0 =	vadd.f32 v1, v0  }
0x437: {  	v1 =	vld.idx.msk [tilespmem:v16+s14+$0x0], $0xffff  }
0x438: {  	v21 =	vld [tilespmem:s21+$0x9080];
	v0 =	vadd.f32 v2, v0  }
0x439: {  	v2 =	vld.idx.msk [tilespmem:v17+s14+$0x0], $0xffff  }
0x43a: {  	v22 =	vld [tilespmem:s21+$0x9100];
	v0 =	vadd.f32 v3, v0  }
0x43b: {  	v3 =	vld.idx.msk [tilespmem:v18+s14+$0x0], $0xffff  }
0x43c: {  	v23 =	vld [tilespmem:s21+$0x9180];
	v0 =	vadd.f32 v1, v0  }
0x43d: {  	v1 =	vld.idx.msk [tilespmem:v19+s14+$0x0], $0xffff  }
0x43e: {  	v24 =	vld [tilespmem:s21+$0x9200];
	v0 =	vadd.f32 v2, v0  }
0x43f: {  	v2 =	vld.idx.msk [tilespmem:v20+s14+$0x0], $0xffff  }
0x440: {  	v25 =	vld [tilespmem:s21+$0x9280];
	v0 =	vadd.f32 v3, v0  }
0x441: {  	v3 =	vld.idx.msk [tilespmem:v21+s14+$0x0], $0xffff  }
0x442: {  	v26 =	vld [tilespmem:s21+$0x9300];
	v0 =	vadd.f32 v1, v0  }
0x443: {  	v1 =	vld.idx.msk [tilespmem:v22+s14+$0x0], $0xffff  }
0x444: {  	v27 =	vld [tilespmem:s21+$0x9380];
	v0 =	vadd.f32 v2, v0  }
0x445: {  	v2 =	vld.idx.msk [tilespmem:v23+s14+$0x0], $0xffff  }
0x446: {  	v0 =	vadd.f32 v3, v0  }
0x447: {  	v3 =	vld.idx.msk [tilespmem:v24+s14+$0x0], $0xffff  }
0x448: {  	v0 =	vadd.f32 v1, v0  }
0x449: {  	v1 =	vld.idx.msk [tilespmem:v25+s14+$0x0], $0xffff  }
0x44a: {  	v0 =	vadd.f32 v2, v0  }
0x44b: {  	v2 =	vld.idx.msk [tilespmem:v26+s14+$0x0], $0xffff  }
0x44c: {  	v0 =	vadd.f32 v3, v0  }
0x44d: {  	v3 =	vld.idx.msk [tilespmem:v27+s14+$0x0], $0xffff  }
0x44e: {  	s29 =	sadd.s32 $0x10, s20;
	v0 =	vadd.f32 v1, v0  }
0x44f: {  	v1 =	vld [tilespmem:s29+$0x0]  }
0x450: {  	v0 =	vadd.f32 v2, v0;
	_ =	sdelay $0x1  }
0x451: {  	v0 =	vadd.f32 v3, v0;
	_ =	sdelay $0x1  }
0x452: {  	v0 =	vadd.f32 v1, v0;
	_ =	sdelay $0x1  }
0x453: {  	[tilespmem:s29+$0x0] =	vst v0  }
0x454: {  	s30 =	simm.s32 $0x0;
	_ =	swait.ge [sflag:s16], $0x5000  }
0x455: {  	s31 =	sand.u32 $0x70, s30;
	s20 =	sand.u32 $0xC00, s30;
	[sflag:s16] =	ssyncset.done $0x0  }
0x456: {  	s20 =	sor.u32 s31, s20;
	[sflag:s16] =	ssyncadd.s32 $0xFFFFB000  }
0x457: {  	v0 =	vld [tilespmem:s20+$0x0];
	_ =	sdelay $0x1  }
0x458: {  	v1 =	vld [tilespmem:s20+$0x80];
	_ =	sdelay $0x1  }
0x459: {  	v2 =	vld [tilespmem:s20+$0x100];
	_ =	sdelay $0x1  }
0x45a: {  	v3 =	vld [tilespmem:s20+$0x180]  }
0x45b: {  	v28 =	vld [tilespmem:s20+$0x200]  }
0x45c: {  	v0 =	vld.idx.msk [tilespmem:v0+s14+$0x0], $0xffff  }
0x45d: {  	v29 =	vld [tilespmem:s20+$0x280]  }
0x45e: {  	v1 =	vld.idx.msk [tilespmem:v1+s14+$0x0], $0xffff  }
0x45f: {  	v30 =	vld [tilespmem:s20+$0x300]  }
0x460: {  	v2 =	vld.idx.msk [tilespmem:v2+s14+$0x0], $0xffff  }
0x461: {  	v31 =	vld [tilespmem:s20+$0x380];
	v0 =	vadd.f32 $0.0e+00, v0  }
0x462: {  	v3 =	vld.idx.msk [tilespmem:v3+s14+$0x0], $0xffff  }
0x463: {  	v32 =	vld [tilespmem:s20+$0x1000];
	v0 =	vadd.f32 v1, v0  }
0x464: {  	v1 =	vld.idx.msk [tilespmem:v28+s14+$0x0], $0xffff  }
0x465: {  	v33 =	vld [tilespmem:s20+$0x1080];
	v0 =	vadd.f32 v2, v0  }
0x466: {  	v2 =	vld.idx.msk [tilespmem:v29+s14+$0x0], $0xffff  }
0x467: {  	v34 =	vld [tilespmem:s20+$0x1100];
	v0 =	vadd.f32 v3, v0  }
0x468: {  	v3 =	vld.idx.msk [tilespmem:v30+s14+$0x0], $0xffff  }
0x469: {  	v35 =	vld [tilespmem:s20+$0x1180];
	v0 =	vadd.f32 v1, v0  }
0x46a: {  	v1 =	vld.idx.msk [tilespmem:v31+s14+$0x0], $0xffff  }
0x46b: {  	v36 =	vld [tilespmem:s20+$0x1200];
	v0 =	vadd.f32 v2, v0  }
0x46c: {  	v2 =	vld.idx.msk [tilespmem:v32+s14+$0x0], $0xffff  }
0x46d: {  	v37 =	vld [tilespmem:s20+$0x1280];
	v0 =	vadd.f32 v3, v0  }
0x46e: {  	v3 =	vld.idx.msk [tilespmem:v33+s14+$0x0], $0xffff  }
0x46f: {  	v38 =	vld [tilespmem:s20+$0x1300];
	v0 =	vadd.f32 v1, v0  }
0x470: {  	v1 =	vld.idx.msk [tilespmem:v34+s14+$0x0], $0xffff  }
0x471: {  	v39 =	vld [tilespmem:s20+$0x1380];
	v0 =	vadd.f32 v2, v0  }
0x472: {  	v2 =	vld.idx.msk [tilespmem:v35+s14+$0x0], $0xffff  }
0x473: {  	v40 =	vld [tilespmem:s20+$0x2000];
	v0 =	vadd.f32 v3, v0  }
0x474: {  	v3 =	vld.idx.msk [tilespmem:v36+s14+$0x0], $0xffff  }
0x475: {  	v41 =	vld [tilespmem:s20+$0x2080];
	v0 =	vadd.f32 v1, v0  }
0x476: {  	v1 =	vld.idx.msk [tilespmem:v37+s14+$0x0], $0xffff  }
0x477: {  	v42 =	vld [tilespmem:s20+$0x2100];
	v0 =	vadd.f32 v2, v0  }
0x478: {  	v2 =	vld.idx.msk [tilespmem:v38+s14+$0x0], $0xffff  }
0x479: {  	v43 =	vld [tilespmem:s20+$0x2180];
	v0 =	vadd.f32 v3, v0  }
0x47a: {  	v3 =	vld.idx.msk [tilespmem:v39+s14+$0x0], $0xffff  }
0x47b: {  	v44 =	vld [tilespmem:s20+$0x2200];
	v0 =	vadd.f32 v1, v0  }
0x47c: {  	v1 =	vld.idx.msk [tilespmem:v40+s14+$0x0], $0xffff  }
0x47d: {  	v45 =	vld [tilespmem:s20+$0x2280];
	v0 =	vadd.f32 v2, v0  }
0x47e: {  	v2 =	vld.idx.msk [tilespmem:v41+s14+$0x0], $0xffff  }
0x47f: {  	v46 =	vld [tilespmem:s20+$0x2300];
	v0 =	vadd.f32 v3, v0  }
0x480: {  	v3 =	vld.idx.msk [tilespmem:v42+s14+$0x0], $0xffff  }
0x481: {  	v47 =	vld [tilespmem:s20+$0x2380];
	v0 =	vadd.f32 v1, v0  }
0x482: {  	v1 =	vld.idx.msk [tilespmem:v43+s14+$0x0], $0xffff  }
0x483: {  	v48 =	vld [tilespmem:s20+$0x3000];
	v0 =	vadd.f32 v2, v0  }
0x484: {  	v2 =	vld.idx.msk [tilespmem:v44+s14+$0x0], $0xffff  }
0x485: {  	v49 =	vld [tilespmem:s20+$0x3080];
	v0 =	vadd.f32 v3, v0  }
0x486: {  	v3 =	vld.idx.msk [tilespmem:v45+s14+$0x0], $0xffff  }
0x487: {  	v50 =	vld [tilespmem:s20+$0x3100];
	v0 =	vadd.f32 v1, v0  }
0x488: {  	v1 =	vld.idx.msk [tilespmem:v46+s14+$0x0], $0xffff  }
0x489: {  	v51 =	vld [tilespmem:s20+$0x3180];
	v0 =	vadd.f32 v2, v0  }
0x48a: {  	v2 =	vld.idx.msk [tilespmem:v47+s14+$0x0], $0xffff  }
0x48b: {  	v52 =	vld [tilespmem:s20+$0x3200];
	v0 =	vadd.f32 v3, v0  }
0x48c: {  	v3 =	vld.idx.msk [tilespmem:v48+s14+$0x0], $0xffff  }
0x48d: {  	v53 =	vld [tilespmem:s20+$0x3280];
	v0 =	vadd.f32 v1, v0  }
0x48e: {  	v1 =	vld.idx.msk [tilespmem:v49+s14+$0x0], $0xffff  }
0x48f: {  	v54 =	vld [tilespmem:s20+$0x3300];
	v0 =	vadd.f32 v2, v0  }
0x490: {  	v2 =	vld.idx.msk [tilespmem:v50+s14+$0x0], $0xffff  }
0x491: {  	v55 =	vld [tilespmem:s20+$0x3380];
	v0 =	vadd.f32 v3, v0  }
0x492: {  	v3 =	vld.idx.msk [tilespmem:v51+s14+$0x0], $0xffff  }
0x493: {  	v56 =	vld [tilespmem:s20+$0x4000];
	v0 =	vadd.f32 v1, v0  }
0x494: {  	v1 =	vld.idx.msk [tilespmem:v52+s14+$0x0], $0xffff  }
0x495: {  	v57 =	vld [tilespmem:s20+$0x4080];
	v0 =	vadd.f32 v2, v0  }
0x496: {  	v2 =	vld.idx.msk [tilespmem:v53+s14+$0x0], $0xffff  }
0x497: {  	v58 =	vld [tilespmem:s20+$0x4100];
	v0 =	vadd.f32 v3, v0  }
0x498: {  	v3 =	vld.idx.msk [tilespmem:v54+s14+$0x0], $0xffff  }
0x499: {  	v59 =	vld [tilespmem:s20+$0x4180];
	v0 =	vadd.f32 v1, v0  }
0x49a: {  	v1 =	vld.idx.msk [tilespmem:v55+s14+$0x0], $0xffff  }
0x49b: {  	v60 =	vld [tilespmem:s20+$0x4200];
	v0 =	vadd.f32 v2, v0  }
0x49c: {  	v2 =	vld.idx.msk [tilespmem:v56+s14+$0x0], $0xffff  }
0x49d: {  	v61 =	vld [tilespmem:s20+$0x4280];
	v0 =	vadd.f32 v3, v0  }
0x49e: {  	v3 =	vld.idx.msk [tilespmem:v57+s14+$0x0], $0xffff  }
0x49f: {  	v62 =	vld [tilespmem:s20+$0x4300];
	v0 =	vadd.f32 v1, v0  }
0x4a0: {  	v1 =	vld.idx.msk [tilespmem:v58+s14+$0x0], $0xffff  }
0x4a1: {  	v63 =	vld [tilespmem:s20+$0x4380];
	v0 =	vadd.f32 v2, v0  }
0x4a2: {  	v2 =	vld.idx.msk [tilespmem:v59+s14+$0x0], $0xffff  }
0x4a3: {  	v0 =	vadd.f32 v3, v0  }
0x4a4: {  	v3 =	vld.idx.msk [tilespmem:v60+s14+$0x0], $0xffff  }
0x4a5: {  	v0 =	vadd.f32 v1, v0  }
0x4a6: {  	v1 =	vld.idx.msk [tilespmem:v61+s14+$0x0], $0xffff  }
0x4a7: {  	v0 =	vadd.f32 v2, v0  }
0x4a8: {  	v2 =	vld.idx.msk [tilespmem:v62+s14+$0x0], $0xffff  }
0x4a9: {  	v0 =	vadd.f32 v3, v0  }
0x4aa: {  	v3 =	vld.idx.msk [tilespmem:v63+s14+$0x0], $0xffff  }
0x4ab: {  	s20 =	simm.s32 $0xA400;
	v0 =	vadd.f32 v1, v0  }
0x4ac: {  	v1 =	vld [tilespmem:s20+$0x0]  }
0x4ad: {  	v0 =	vadd.f32 v2, v0;
	_ =	sdelay $0x1  }
0x4ae: {  	v0 =	vadd.f32 v3, v0;
	_ =	sdelay $0x1  }
0x4af: {  	v0 =	vadd.f32 v1, v0;
	_ =	sdelay $0x1  }
0x4b0: {  	v0 =	vsub.f32 $0.0e+00, v0;
	_ =	sdelay $0x1  }
0x4b1: {  	v0 =	vmul.f32 $1.442695020e+00, v0;
	_ =	sdelay $0x1  }
0x4b2: {  	(erf) = vpow2.f32 v0;
	_ =	sdelay $0x8  }
0x4b3: {  	v0 =	vpop (erf)  }
0x4b4: {  	v0 =	vadd.f32 $1.000000000e+00, v0;
	_ =	sdelay $0x1  }
0x4b5: {  	(erf) = vrcp.f32 v0;
	_ =	sdelay $0x7  }
0x4b6: {  	s22 =	simm.s32 $0x10;
	s21 =	simm.s32 $0x80  }
0x4b7: {  	s23 =	sand.u32 $0x70, s22;
	s22 =	simm.s32 $0x20;
	s24 =	sand.u32 $0xC00, s21;
	v0 =	vpop (erf)  }
.LBB2_10:
0x4b8: {  	p0 =	sne.s32 s22, $0x1F0;
	s23 =	sor.u32 s23, s24;
	[tilespmem:s20+$0x0] =	vst v0  }
0x4b9: {  	v0 =	vld [tilespmem:s23+$0x0];
	_ =	sdelay $0x1  }
0x4ba: {  	v1 =	vld [tilespmem:s23+$0x80];
	_ =	sdelay $0x1  }
0x4bb: {  	v2 =	vld [tilespmem:s23+$0x100];
	_ =	sdelay $0x1  }
0x4bc: {  	v3 =	vld [tilespmem:s23+$0x180]  }
0x4bd: {  	v4 =	vld [tilespmem:s23+$0x200]  }
0x4be: {  	v0 =	vld.idx.msk [tilespmem:v0+s14+$0x0], $0xffff  }
0x4bf: {  	v5 =	vld [tilespmem:s23+$0x280]  }
0x4c0: {  	v1 =	vld.idx.msk [tilespmem:v1+s14+$0x0], $0xffff  }
0x4c1: {  	v6 =	vld [tilespmem:s23+$0x300]  }
0x4c2: {  	v2 =	vld.idx.msk [tilespmem:v2+s14+$0x0], $0xffff  }
0x4c3: {  	v7 =	vld [tilespmem:s23+$0x380]  }
0x4c4: {  	v0 =	vadd.f32 $0.0e+00, v0;
	v3 =	vld.idx.msk [tilespmem:v3+s14+$0x0], $0xffff  }
0x4c5: {  	v8 =	vld [tilespmem:s23+$0x1000]  }
0x4c6: {  	v0 =	vadd.f32 v1, v0;
	v1 =	vld.idx.msk [tilespmem:v4+s14+$0x0], $0xffff  }
0x4c7: {  	v4 =	vld [tilespmem:s23+$0x1080]  }
0x4c8: {  	v0 =	vadd.f32 v2, v0;
	v2 =	vld.idx.msk [tilespmem:v5+s14+$0x0], $0xffff  }
0x4c9: {  	v5 =	vld [tilespmem:s23+$0x1100]  }
0x4ca: {  	v0 =	vadd.f32 v3, v0;
	v3 =	vld.idx.msk [tilespmem:v6+s14+$0x0], $0xffff  }
0x4cb: {  	v6 =	vld [tilespmem:s23+$0x1180]  }
0x4cc: {  	v0 =	vadd.f32 v1, v0;
	v1 =	vld.idx.msk [tilespmem:v7+s14+$0x0], $0xffff  }
0x4cd: {  	v7 =	vld [tilespmem:s23+$0x1200]  }
0x4ce: {  	v0 =	vadd.f32 v2, v0;
	v2 =	vld.idx.msk [tilespmem:v8+s14+$0x0], $0xffff  }
0x4cf: {  	v8 =	vld [tilespmem:s23+$0x1280]  }
0x4d0: {  	v0 =	vadd.f32 v3, v0;
	v3 =	vld.idx.msk [tilespmem:v4+s14+$0x0], $0xffff  }
0x4d1: {  	v4 =	vld [tilespmem:s23+$0x1300]  }
0x4d2: {  	v0 =	vadd.f32 v1, v0;
	v1 =	vld.idx.msk [tilespmem:v5+s14+$0x0], $0xffff  }
0x4d3: {  	v5 =	vld [tilespmem:s23+$0x1380]  }
0x4d4: {  	v0 =	vadd.f32 v2, v0;
	v2 =	vld.idx.msk [tilespmem:v6+s14+$0x0], $0xffff  }
0x4d5: {  	v6 =	vld [tilespmem:s23+$0x2000]  }
0x4d6: {  	v0 =	vadd.f32 v3, v0;
	v3 =	vld.idx.msk [tilespmem:v7+s14+$0x0], $0xffff  }
0x4d7: {  	v7 =	vld [tilespmem:s23+$0x2080]  }
0x4d8: {  	v0 =	vadd.f32 v1, v0;
	v1 =	vld.idx.msk [tilespmem:v8+s14+$0x0], $0xffff  }
0x4d9: {  	v8 =	vld [tilespmem:s23+$0x2100]  }
0x4da: {  	v0 =	vadd.f32 v2, v0;
	v2 =	vld.idx.msk [tilespmem:v4+s14+$0x0], $0xffff  }
0x4db: {  	v4 =	vld [tilespmem:s23+$0x2180]  }
0x4dc: {  	v0 =	vadd.f32 v3, v0;
	v3 =	vld.idx.msk [tilespmem:v5+s14+$0x0], $0xffff  }
0x4dd: {  	v5 =	vld [tilespmem:s23+$0x2200]  }
0x4de: {  	v0 =	vadd.f32 v1, v0;
	v1 =	vld.idx.msk [tilespmem:v6+s14+$0x0], $0xffff  }
0x4df: {  	v6 =	vld [tilespmem:s23+$0x2280]  }
0x4e0: {  	v0 =	vadd.f32 v2, v0;
	v2 =	vld.idx.msk [tilespmem:v7+s14+$0x0], $0xffff  }
0x4e1: {  	v7 =	vld [tilespmem:s23+$0x2300]  }
0x4e2: {  	v0 =	vadd.f32 v3, v0;
	v3 =	vld.idx.msk [tilespmem:v8+s14+$0x0], $0xffff  }
0x4e3: {  	v8 =	vld [tilespmem:s23+$0x2380]  }
0x4e4: {  	v0 =	vadd.f32 v1, v0;
	v1 =	vld.idx.msk [tilespmem:v4+s14+$0x0], $0xffff  }
0x4e5: {  	v4 =	vld [tilespmem:s23+$0x3000]  }
0x4e6: {  	v0 =	vadd.f32 v2, v0;
	v2 =	vld.idx.msk [tilespmem:v5+s14+$0x0], $0xffff  }
0x4e7: {  	v5 =	vld [tilespmem:s23+$0x3080]  }
0x4e8: {  	v0 =	vadd.f32 v3, v0;
	v3 =	vld.idx.msk [tilespmem:v6+s14+$0x0], $0xffff  }
0x4e9: {  	v6 =	vld [tilespmem:s23+$0x3100]  }
0x4ea: {  	v0 =	vadd.f32 v1, v0;
	v1 =	vld.idx.msk [tilespmem:v7+s14+$0x0], $0xffff  }
0x4eb: {  	v7 =	vld [tilespmem:s23+$0x3180]  }
0x4ec: {  	v0 =	vadd.f32 v2, v0;
	v2 =	vld.idx.msk [tilespmem:v8+s14+$0x0], $0xffff  }
0x4ed: {  	v8 =	vld [tilespmem:s23+$0x3200]  }
0x4ee: {  	v0 =	vadd.f32 v3, v0;
	v3 =	vld.idx.msk [tilespmem:v4+s14+$0x0], $0xffff  }
0x4ef: {  	v4 =	vld [tilespmem:s23+$0x3280]  }
0x4f0: {  	v0 =	vadd.f32 v1, v0;
	v1 =	vld.idx.msk [tilespmem:v5+s14+$0x0], $0xffff  }
0x4f1: {  	v5 =	vld [tilespmem:s23+$0x3300]  }
0x4f2: {  	v0 =	vadd.f32 v2, v0;
	v2 =	vld.idx.msk [tilespmem:v6+s14+$0x0], $0xffff  }
0x4f3: {  	v6 =	vld [tilespmem:s23+$0x3380]  }
0x4f4: {  	v0 =	vadd.f32 v3, v0;
	v3 =	vld.idx.msk [tilespmem:v7+s14+$0x0], $0xffff  }
0x4f5: {  	v7 =	vld [tilespmem:s23+$0x4000]  }
0x4f6: {  	v0 =	vadd.f32 v1, v0;
	v1 =	vld.idx.msk [tilespmem:v8+s14+$0x0], $0xffff  }
0x4f7: {  	v8 =	vld [tilespmem:s23+$0x4080]  }
0x4f8: {  	v0 =	vadd.f32 v2, v0;
	v2 =	vld.idx.msk [tilespmem:v4+s14+$0x0], $0xffff  }
0x4f9: {  	v4 =	vld [tilespmem:s23+$0x4100]  }
0x4fa: {  	v0 =	vadd.f32 v3, v0;
	v3 =	vld.idx.msk [tilespmem:v5+s14+$0x0], $0xffff  }
0x4fb: {  	v5 =	vld [tilespmem:s23+$0x4180]  }
0x4fc: {  	v0 =	vadd.f32 v1, v0;
	v1 =	vld.idx.msk [tilespmem:v6+s14+$0x0], $0xffff  }
0x4fd: {  	v6 =	vld [tilespmem:s23+$0x4200]  }
0x4fe: {  	v0 =	vadd.f32 v2, v0;
	v2 =	vld.idx.msk [tilespmem:v7+s14+$0x0], $0xffff  }
0x4ff: {  	v7 =	vld [tilespmem:s23+$0x4280]  }
0x500: {  	v0 =	vadd.f32 v3, v0;
	v3 =	vld.idx.msk [tilespmem:v8+s14+$0x0], $0xffff  }
0x501: {  	v8 =	vld [tilespmem:s23+$0x4300]  }
0x502: {  	v0 =	vadd.f32 v1, v0;
	v1 =	vld.idx.msk [tilespmem:v4+s14+$0x0], $0xffff  }
0x503: {  	v4 =	vld [tilespmem:s23+$0x4380]  }
0x504: {  	v0 =	vadd.f32 v2, v0;
	v2 =	vld.idx.msk [tilespmem:v5+s14+$0x0], $0xffff;
	_ =	sdelay $0x1  }
0x505: {  	v0 =	vadd.f32 v3, v0;
	v3 =	vld.idx.msk [tilespmem:v6+s14+$0x0], $0xffff;
	_ =	sdelay $0x1  }
0x506: {  	v0 =	vadd.f32 v1, v0;
	v1 =	vld.idx.msk [tilespmem:v7+s14+$0x0], $0xffff;
	_ =	sdelay $0x1  }
0x507: {  	v0 =	vadd.f32 v2, v0;
	v2 =	vld.idx.msk [tilespmem:v8+s14+$0x0], $0xffff;
	_ =	sdelay $0x1  }
0x508: {  	v0 =	vadd.f32 v3, v0;
	v3 =	vld.idx.msk [tilespmem:v4+s14+$0x0], $0xffff;
	_ =	sdelay $0x1  }
0x509: {  	s20 =	sadd.s32 $0x10, s20;
	v0 =	vadd.f32 v1, v0  }
0x50a: {  	v1 =	vld [tilespmem:s20+$0x0]  }
0x50b: {  	v0 =	vadd.f32 v2, v0;
	_ =	sdelay $0x1  }
0x50c: {  	v0 =	vadd.f32 v3, v0;
	_ =	sdelay $0x1  }
0x50d: {  	v0 =	vadd.f32 v1, v0;
	_ =	sdelay $0x1  }
0x50e: {  	v0 =	vsub.f32 $0.0e+00, v0;
	_ =	sdelay $0x1  }
0x50f: {  	v0 =	vmul.f32 $1.442695020e+00, v0;
	_ =	sdelay $0x1  }
0x510: {  	(erf) = vpow2.f32 v0;
	_ =	sdelay $0x8  }
0x511: {  	v0 =	vpop (erf)  }
0x512: {  	v0 =	vadd.f32 $1.000000000e+00, v0;
	_ =	sdelay $0x1  }
0x513: {  	(erf) = vrcp.f32 v0;
	_ =	sdelay $0x4  }
.Ltmp4:
0x514: {  	(pc) =	sbr.rel @p0 .LBB2_10-.Ltmp4, $3  }
0x515: {  	_ =	sdelay $0x1  }
0x516: {  	s21 =	sadd.s32 $0x80, s21  }
0x517: {  	s24 =	sand.u32 $0xC00, s21;
	s23 =	sand.u32 $0x70, s22;
	s22 =	sadd.s32 $0x10, s22;
	v0 =	vpop (erf)  }
0x518: {  	s21 =	sor.u32 s23, s24;
	[tilespmem:s20+$0x0] =	vst v0  }
0x519: {  	v0 =	vld [tilespmem:s21+$0x0];
	_ =	sdelay $0x1  }
0x51a: {  	v1 =	vld [tilespmem:s21+$0x80];
	_ =	sdelay $0x1  }
0x51b: {  	v2 =	vld [tilespmem:s21+$0x100];
	_ =	sdelay $0x1  }
0x51c: {  	v3 =	vld [tilespmem:s21+$0x180]  }
0x51d: {  	v4 =	vld [tilespmem:s21+$0x200]  }
0x51e: {  	v0 =	vld.idx.msk [tilespmem:v0+s14+$0x0], $0xffff  }
0x51f: {  	v5 =	vld [tilespmem:s21+$0x280]  }
0x520: {  	v1 =	vld.idx.msk [tilespmem:v1+s14+$0x0], $0xffff  }
0x521: {  	v6 =	vld [tilespmem:s21+$0x300]  }
0x522: {  	v2 =	vld.idx.msk [tilespmem:v2+s14+$0x0], $0xffff  }
0x523: {  	v7 =	vld [tilespmem:s21+$0x380];
	v0 =	vadd.f32 $0.0e+00, v0  }
0x524: {  	v3 =	vld.idx.msk [tilespmem:v3+s14+$0x0], $0xffff  }
0x525: {  	v8 =	vld [tilespmem:s21+$0x1000];
	v0 =	vadd.f32 v1, v0  }
0x526: {  	v48 =	vld.idx.msk [tilespmem:v4+s14+$0x0], $0xffff  }
0x527: {  	v49 =	vld [tilespmem:s21+$0x1080];
	v0 =	vadd.f32 v2, v0  }
0x528: {  	v50 =	vld.idx.msk [tilespmem:v5+s14+$0x0], $0xffff  }
0x529: {  	v51 =	vld [tilespmem:s21+$0x1100];
	v0 =	vadd.f32 v3, v0  }
0x52a: {  	v52 =	vld.idx.msk [tilespmem:v6+s14+$0x0], $0xffff  }
0x52b: {  	v53 =	vld [tilespmem:s21+$0x1180];
	v0 =	vadd.f32 v48, v0  }
0x52c: {  	v54 =	vld.idx.msk [tilespmem:v7+s14+$0x0], $0xffff  }
0x52d: {  	v55 =	vld [tilespmem:s21+$0x1200];
	v0 =	vadd.f32 v50, v0  }
0x52e: {  	v56 =	vld.idx.msk [tilespmem:v8+s14+$0x0], $0xffff  }
0x52f: {  	v57 =	vld [tilespmem:s21+$0x1280];
	v0 =	vadd.f32 v52, v0  }
0x530: {  	v58 =	vld.idx.msk [tilespmem:v49+s14+$0x0], $0xffff  }
0x531: {  	v59 =	vld [tilespmem:s21+$0x1300];
	v0 =	vadd.f32 v54, v0  }
0x532: {  	v60 =	vld.idx.msk [tilespmem:v51+s14+$0x0], $0xffff  }
0x533: {  	v61 =	vld [tilespmem:s21+$0x1380];
	v0 =	vadd.f32 v56, v0  }
0x534: {  	v62 =	vld.idx.msk [tilespmem:v53+s14+$0x0], $0xffff  }
0x535: {  	v63 =	vld [tilespmem:s21+$0x2000];
	v0 =	vadd.f32 v58, v0  }
0x536: {  	v12 =	vld.idx.msk [tilespmem:v55+s14+$0x0], $0xffff  }
0x537: {  	v13 =	vld [tilespmem:s21+$0x2080];
	v0 =	vadd.f32 v60, v0  }
0x538: {  	v14 =	vld.idx.msk [tilespmem:v57+s14+$0x0], $0xffff  }
0x539: {  	v15 =	vld [tilespmem:s21+$0x2100];
	v0 =	vadd.f32 v62, v0  }
0x53a: {  	v16 =	vld.idx.msk [tilespmem:v59+s14+$0x0], $0xffff  }
0x53b: {  	v17 =	vld [tilespmem:s21+$0x2180];
	v0 =	vadd.f32 v12, v0  }
0x53c: {  	v18 =	vld.idx.msk [tilespmem:v61+s14+$0x0], $0xffff  }
0x53d: {  	v19 =	vld [tilespmem:s21+$0x2200];
	v0 =	vadd.f32 v14, v0  }
0x53e: {  	v20 =	vld.idx.msk [tilespmem:v63+s14+$0x0], $0xffff  }
0x53f: {  	v21 =	vld [tilespmem:s21+$0x2280];
	v0 =	vadd.f32 v16, v0  }
0x540: {  	v22 =	vld.idx.msk [tilespmem:v13+s14+$0x0], $0xffff  }
0x541: {  	v23 =	vld [tilespmem:s21+$0x2300];
	v0 =	vadd.f32 v18, v0  }
0x542: {  	v24 =	vld.idx.msk [tilespmem:v15+s14+$0x0], $0xffff  }
0x543: {  	v25 =	vld [tilespmem:s21+$0x2380];
	v0 =	vadd.f32 v20, v0  }
0x544: {  	v26 =	vld.idx.msk [tilespmem:v17+s14+$0x0], $0xffff  }
0x545: {  	v27 =	vld [tilespmem:s21+$0x3000];
	v0 =	vadd.f32 v22, v0  }
0x546: {  	v28 =	vld.idx.msk [tilespmem:v19+s14+$0x0], $0xffff  }
0x547: {  	v29 =	vld [tilespmem:s21+$0x3080];
	v0 =	vadd.f32 v24, v0  }
0x548: {  	v30 =	vld.idx.msk [tilespmem:v21+s14+$0x0], $0xffff  }
0x549: {  	v31 =	vld [tilespmem:s21+$0x3100];
	v0 =	vadd.f32 v26, v0  }
0x54a: {  	v32 =	vld.idx.msk [tilespmem:v23+s14+$0x0], $0xffff  }
0x54b: {  	v33 =	vld [tilespmem:s21+$0x3180];
	v0 =	vadd.f32 v28, v0  }
0x54c: {  	v34 =	vld.idx.msk [tilespmem:v25+s14+$0x0], $0xffff  }
0x54d: {  	v35 =	vld [tilespmem:s21+$0x3200];
	v0 =	vadd.f32 v30, v0  }
0x54e: {  	v36 =	vld.idx.msk [tilespmem:v27+s14+$0x0], $0xffff  }
0x54f: {  	v37 =	vld [tilespmem:s21+$0x3280];
	v0 =	vadd.f32 v32, v0  }
0x550: {  	v38 =	vld.idx.msk [tilespmem:v29+s14+$0x0], $0xffff  }
0x551: {  	v39 =	vld [tilespmem:s21+$0x3300];
	v0 =	vadd.f32 v34, v0  }
0x552: {  	v40 =	vld.idx.msk [tilespmem:v31+s14+$0x0], $0xffff  }
0x553: {  	v41 =	vld [tilespmem:s21+$0x3380];
	v0 =	vadd.f32 v36, v0  }
0x554: {  	v42 =	vld.idx.msk [tilespmem:v33+s14+$0x0], $0xffff  }
0x555: {  	v43 =	vld [tilespmem:s21+$0x4000];
	v0 =	vadd.f32 v38, v0  }
0x556: {  	v44 =	vld.idx.msk [tilespmem:v35+s14+$0x0], $0xffff  }
0x557: {  	v45 =	vld [tilespmem:s21+$0x4080];
	v0 =	vadd.f32 v40, v0  }
0x558: {  	v46 =	vld.idx.msk [tilespmem:v37+s14+$0x0], $0xffff  }
0x559: {  	v47 =	vld [tilespmem:s21+$0x4100];
	v0 =	vadd.f32 v42, v0  }
0x55a: {  	v48 =	vld.idx.msk [tilespmem:v39+s14+$0x0], $0xffff  }
0x55b: {  	v49 =	vld [tilespmem:s21+$0x4180];
	v0 =	vadd.f32 v44, v0  }
0x55c: {  	v50 =	vld.idx.msk [tilespmem:v41+s14+$0x0], $0xffff  }
0x55d: {  	v51 =	vld [tilespmem:s21+$0x4200];
	v0 =	vadd.f32 v46, v0  }
0x55e: {  	v52 =	vld.idx.msk [tilespmem:v43+s14+$0x0], $0xffff  }
0x55f: {  	v53 =	vld [tilespmem:s21+$0x4280];
	v0 =	vadd.f32 v48, v0  }
0x560: {  	v54 =	vld.idx.msk [tilespmem:v45+s14+$0x0], $0xffff  }
0x561: {  	v55 =	vld [tilespmem:s21+$0x4300];
	v0 =	vadd.f32 v50, v0  }
0x562: {  	v56 =	vld.idx.msk [tilespmem:v47+s14+$0x0], $0xffff  }
0x563: {  	v57 =	vld [tilespmem:s21+$0x4380];
	v0 =	vadd.f32 v52, v0  }
0x564: {  	v58 =	vld.idx.msk [tilespmem:v49+s14+$0x0], $0xffff  }
0x565: {  	v0 =	vadd.f32 v54, v0  }
0x566: {  	v59 =	vld.idx.msk [tilespmem:v51+s14+$0x0], $0xffff  }
0x567: {  	v0 =	vadd.f32 v56, v0  }
0x568: {  	v60 =	vld.idx.msk [tilespmem:v53+s14+$0x0], $0xffff  }
0x569: {  	v0 =	vadd.f32 v58, v0  }
0x56a: {  	v61 =	vld.idx.msk [tilespmem:v55+s14+$0x0], $0xffff  }
0x56b: {  	v0 =	vadd.f32 v59, v0  }
0x56c: {  	v62 =	vld.idx.msk [tilespmem:v57+s14+$0x0], $0xffff  }
0x56d: {  	s31 =	sadd.s32 $0x10, s20;
	v0 =	vadd.f32 v60, v0  }
0x56e: {  	v63 =	vld [tilespmem:s31+$0x0]  }
0x56f: {  	v0 =	vadd.f32 v61, v0;
	_ =	sdelay $0x1  }
0x570: {  	v0 =	vadd.f32 v62, v0;
	_ =	sdelay $0x1  }
0x571: {  	v0 =	vadd.f32 v63, v0;
	_ =	sdelay $0x1  }
0x572: {  	v0 =	vsub.f32 $0.0e+00, v0;
	_ =	sdelay $0x1  }
0x573: {  	v0 =	vmul.f32 $1.442695020e+00, v0;
	_ =	sdelay $0x1  }
0x574: {  	(erf) = vpow2.f32 v0;
	_ =	sdelay $0x8  }
0x575: {  	v0 =	vpop (erf)  }
0x576: {  	v0 =	vadd.f32 $1.000000000e+00, v0;
	_ =	sdelay $0x1  }
0x577: {  	(erf) = vrcp.f32 v0;
	_ =	sdelay $0x7  }
0x578: {  	s19 =	sadd.s32 $0x1, s19  }
0x579: {  	p0 =	sne.s32 s19, s10;
	v0 =	vpop (erf)  }
.Ltmp5:
0x57a: {  	[tilespmem:s31+$0x0] =	vst v0;
	(pc) =	sbr.rel @p0 .LBB2_1-.Ltmp5, $4  }
0x57b: {  	[hbm4b:s9+s2] =	stream.linear.scatter [tilespmem:s18], [sflag:$0x3], $0x200, $0x38;
	[tilespmem:$0xA600] =	vst v63  }
0x57c: {  	_ =	swait.ge [sflag:s15], $0x200  }
0x57d: {  	[sflag:s15] =	ssyncset.done $0x0  }
0x57e: {  	[sflag:s15] =	ssyncadd.s32 $0xFFFFFE00  }
0x57f: {  	_ =	sfence.sel $0x180000  }
0x580: {  	[bflag:$0x0] =	sbarrier.arrive $0xFFFF  }
0x581: {  	p0 =	sne.s32 s1, $0x0;
	_ =	strace $0x90000047  }
0x582: {  	s0 =	sadd.s32 @!p0 $0x100000, s0;
	[bflag:$0x2] =	sbarrier.arrive $0xFFFF  }
0x583: {  	[sflag:s0] =	ssyncadd.tile.s32 @!p0 $0x1;
	_ =	shalt  }
.Lfunc_end2:
_tile_overlayer_lowered:
.L_overlay_start_2:
0x584: {  	(tag) =	ssettag $0x2  }
0x585: {  	s0 =	rddreg [dreg:$0x0];
	s2 =	stileid.u32  }
0x586: {  	s1 =	rddreg [dreg:$0x1];
	p0 =	sne.s32 s2, $0x0  }
0x587: {  	s3 =	rddreg [dreg:$0x2];
	[bflag:$0x3] =	sbarrier.arrive $0xFFFF;
	s2 =	simm.s32 @!p0 $0x1C03  }
0x588: {  	[timem:s3], [sflag:s2] =	dma.local @!p0 [hbm:s0], s1  }
0x589: {  	s0 =	simm.s32 @!p0 $0x3  }
0x58a: {  	_ =	swait.ge @!p0 [sflag:s0], s1  }
0x58b: {  	s1 =	ssub.s32 @!p0 $0x0, s1;
	[sflag:s0] =	ssyncset.done @!p0 $0x0  }
0x58c: {  	[sflag:s0] =	ssyncadd.s32 @!p0 s1  }
0x58d: {  	[bflag:$0x3] =	sbarrier.arrive $0xFFFF  }
0x58e: {  	_ =	shalt  }

</sc_bundles>
